<compile_context>
chip_gen: v7x
topology: tpu7x:2x2x1
jax: 0.10.2.dev20260603
libtpu: 0.0.44.dev20260713+nightly
codegen_flags: <defaults>
</compile_context>

<pallas_src>
import functools

import jax
import jax.numpy as jnp
from jax import lax
from jax.experimental import pallas as pl
from jax.experimental.pallas import tpu as pltpu
from jax.experimental.pallas import tpu_sc as plsc

N_NODES = 10000
N_EDGES = 320000
DIM = 128

NC = 2
NS = 16
NW = NC * NS
CHUNK = 128
NCHUNK = 80
EPT = CHUNK * NCHUNK
E_PAD = EPT * NW
PAD = E_PAD - N_EDGES
NCHUNK0 = NCHUNK
NCHUNK1 = 2 * NCHUNK - NCHUNK0
N_PAD = 10016
STRIPE = 632
ZLAST = N_PAD - 15 * STRIPE
OLAST = N_NODES - 15 * STRIPE


def _build_chunk_table(src1, dst2):

    def _row(j, _):
        for k in range(CHUNK // 16):
            dst2[j, pl.ds(16 * k, 16)] = src1[pl.ds(j * CHUNK + 16 * k, 16)]
        return 0

    lax.fori_loop(0, NCHUNK, _row, 0)


def _zero_stripe(sid, zbuf, dst_s):

    def _run(r0, nrows):
        for t in range(nrows // CHUNK):
            pltpu.sync_copy(zbuf, dst_s.at[pl.ds(r0 + t * CHUNK, CHUNK)])
        rem = nrows % CHUNK
        if rem:
            pltpu.sync_copy(
                zbuf.at[pl.ds(0, rem)],
                dst_s.at[pl.ds(r0 + (nrows // CHUNK) * CHUNK, rem)],
            )

    @pl.when(sid < 15)
    def _():
        _run(pl.multiple_of(sid * STRIPE, 8), STRIPE)

    @pl.when(sid == 15)
    def _():
        _run(15 * STRIPE, ZLAST)


def _copy_out_stripe(sid, cid, src_s, out_hbm):

    @pl.when(sid < 15)
    def _():
        o0 = pl.multiple_of(sid * STRIPE, 8)
        pltpu.sync_copy(src_s.at[pl.ds(o0, STRIPE)], out_hbm.at[cid, pl.ds(o0, STRIPE)])

    @pl.when(sid == 15)
    def _():
        pltpu.sync_copy(
            src_s.at[pl.ds(15 * STRIPE, OLAST)],
            out_hbm.at[cid, pl.ds(15 * STRIPE, OLAST)],
        )

_mesh = plsc.VectorSubcoreMesh(core_axis_name="c", subcore_axis_name="s")


@functools.partial(
    pl.kernel,
    mesh=_mesh,
    out_type=jax.ShapeDtypeStruct((NC, N_NODES, DIM), jnp.float32),
    scratch_types=[
        pltpu.VMEM((EPT,), jnp.int32),
        pltpu.VMEM((NCHUNK, CHUNK), jnp.int32),
        pltpu.VMEM((CHUNK, DIM), jnp.float32),
        pltpu.VMEM_SHARED((N_PAD, DIM), jnp.float32),
    ],
)
def _deg_kernel(col_hbm, out_hbm, stage_v, col_v, ones_v, deg_s):
    cid = lax.axis_index("c")
    sid = lax.axis_index("s")
    wid = sid * NC + cid

    pltpu.sync_copy(col_hbm.at[pl.ds(pl.multiple_of(wid * EPT, 8), EPT)], stage_v)
    _build_chunk_table(stage_v, col_v)

    def _fill(i, _):
        for k in range(DIM // 16):
            ones_v[i, pl.ds(16 * k, 16)] = jnp.zeros((16,), jnp.float32)
        return 0

    lax.fori_loop(0, CHUNK, _fill, 0)
    _zero_stripe(sid, ones_v, deg_s)

    def _fill1(i, _):
        for k in range(DIM // 16):
            ones_v[i, pl.ds(16 * k, 16)] = jnp.ones((16,), jnp.float32)
        return 0

    lax.fori_loop(0, CHUNK, _fill1, 0)
    plsc.subcore_barrier()

    def _body(j, _):
        pltpu.sync_copy(ones_v, deg_s.at[col_v.at[j]], add=True)
        return 0

    lax.fori_loop(0, NCHUNK, _body, 0)
    plsc.subcore_barrier()
    _copy_out_stripe(sid, cid, deg_s, out_hbm)


@functools.partial(
    pl.kernel,
    mesh=_mesh,
    out_type=jax.ShapeDtypeStruct((NC, N_NODES, DIM), jnp.float32),
    scratch_types=[
        pltpu.VMEM((CHUNK,), jnp.int32),
        pltpu.VMEM((CHUNK,), jnp.int32),
        pltpu.VMEM((CHUNK,), jnp.int32),
        pltpu.VMEM((CHUNK,), jnp.int32),
        pltpu.VMEM((CHUNK, DIM), jnp.float32),
        pltpu.VMEM((CHUNK, DIM), jnp.float32),
        pltpu.VMEM_SHARED((N_PAD, DIM), jnp.float32),
        pltpu.SemaphoreType.DMA,
        pltpu.SemaphoreType.DMA,
        pltpu.SemaphoreType.DMA,
        pltpu.SemaphoreType.DMA,
    ],
)
def _scatter_kernel(
    row_hbm, col_hbm, y_hbm, out_hbm,
    row_a, col_a, row_b, col_b, buf_a, buf_b, acc_s,
    sem_ia, sem_ib, sem_ga, sem_gb,
):
    cid = lax.axis_index("c")
    sid = lax.axis_index("s")
    base = (sid * 2 * NCHUNK + cid * NCHUNK0) * CHUNK
    nch = jnp.where(cid == 0, NCHUNK0, NCHUNK1)

    def _zero(i, _):
        for k in range(DIM // 16):
            buf_a[i, pl.ds(16 * k, 16)] = jnp.zeros((16,), jnp.float32)
        return 0

    lax.fori_loop(0, CHUNK, _zero, 0)
    _zero_stripe(sid, buf_a, acc_s)
    plsc.subcore_barrier()

    def _start_idx(j, row_v, col_v, sem):
        off = base + j * CHUNK
        pltpu.async_copy(row_hbm.at[pl.ds(off, CHUNK)], row_v, sem)
        pltpu.async_copy(col_hbm.at[pl.ds(off, CHUNK)], col_v, sem)

    def _wait_idx(row_v, col_v, sem):
        pltpu.make_async_copy(row_hbm.at[pl.ds(0, CHUNK)], row_v, sem).wait()
        pltpu.make_async_copy(col_hbm.at[pl.ds(0, CHUNK)], col_v, sem).wait()

    def _wait_gather(buf, sem):
        pltpu.make_async_copy(y_hbm.at[pl.ds(0, CHUNK)], buf, sem).wait()

    _start_idx(0, row_a, col_a, sem_ia)
    _wait_idx(row_a, col_a, sem_ia)
    pltpu.async_copy(y_hbm.at[row_a], buf_a, sem_ga)
    _start_idx(1, row_b, col_b, sem_ib)

    def _pair(i, _):
        j0 = 2 * i
        j1 = j0 + 1
        _wait_idx(row_b, col_b, sem_ib)
        pltpu.async_copy(y_hbm.at[row_b], buf_b, sem_gb)
        _wait_gather(buf_a, sem_ga)
        pltpu.sync_copy(buf_a, acc_s.at[col_a], add=True)

        @pl.when(j0 + 2 < nch)
        def _():
            _start_idx(j0 + 2, row_a, col_a, sem_ia)

        _wait_gather(buf_b, sem_gb)
        pltpu.sync_copy(buf_b, acc_s.at[col_b], add=True)

        @pl.when(j0 + 2 < nch)
        def _():
            _wait_idx(row_a, col_a, sem_ia)
            pltpu.async_copy(y_hbm.at[row_a], buf_a, sem_ga)

        @pl.when(j1 + 2 < nch)
        def _():
            _start_idx(j1 + 2, row_b, col_b, sem_ib)

        return 0

    lax.fori_loop(0, nch // 2, _pair, 0)
    plsc.subcore_barrier()
    _copy_out_stripe(sid, cid, acc_s, out_hbm)


def _mm_body(x_ref, w_ref, xw_ref):
    xw_ref[...] = jnp.dot(x_ref[...], w_ref[...], preferred_element_type=jnp.float32)


def _scale_body(xw_ref, degp_ref, y_ref):
    dinv = lax.rsqrt(degp_ref[0] + degp_ref[1] + 1.0)
    y_ref[...] = dinv * xw_ref[...]


def _combine_body(p_ref, y_ref, degp_ref, out_ref):
    dinv = lax.rsqrt(degp_ref[0] + degp_ref[1] + 1.0)
    out_ref[...] = dinv * (p_ref[0] + p_ref[1] + y_ref[...])


_MM_ROWS = 1000


def kernel(node_feature, edge_index, W):
    row = edge_index[0].astype(jnp.int32)
    col = edge_index[1].astype(jnp.int32)
    pad_idx = jnp.arange(PAD, dtype=jnp.int32)
    row_p = jnp.concatenate([row, pad_idx % N_NODES])
    col_p = jnp.concatenate([col, N_NODES + (pad_idx % (N_PAD - N_NODES))])

    deg_p = _deg_kernel(col_p)

    grid = N_NODES // _MM_ROWS
    xw = pl.pallas_call(
        _mm_body,
        grid=(grid,),
        in_specs=[
            pl.BlockSpec((_MM_ROWS, DIM), lambda i: (i, 0)),
            pl.BlockSpec((DIM, DIM), lambda i: (0, 0)),
        ],
        out_specs=pl.BlockSpec((_MM_ROWS, DIM), lambda i: (i, 0)),
        out_shape=jax.ShapeDtypeStruct((N_NODES, DIM), jnp.float32),
    )(node_feature, W)

    y = pl.pallas_call(
        _scale_body,
        grid=(grid,),
        in_specs=[
            pl.BlockSpec((_MM_ROWS, DIM), lambda i: (i, 0)),
            pl.BlockSpec((NC, _MM_ROWS, DIM), lambda i: (0, i, 0)),
        ],
        out_specs=pl.BlockSpec((_MM_ROWS, DIM), lambda i: (i, 0)),
        out_shape=jax.ShapeDtypeStruct((N_NODES, DIM), jnp.float32),
    )(xw, deg_p)

    parts = _scatter_kernel(row_p, col_p, y)

    out = pl.pallas_call(
        _combine_body,
        grid=(grid,),
        in_specs=[
            pl.BlockSpec((NC, _MM_ROWS, DIM), lambda i: (0, i, 0)),
            pl.BlockSpec((_MM_ROWS, DIM), lambda i: (i, 0)),
            pl.BlockSpec((NC, _MM_ROWS, DIM), lambda i: (0, i, 0)),
        ],
        out_specs=pl.BlockSpec((_MM_ROWS, DIM), lambda i: (i, 0)),
        out_shape=jax.ShapeDtypeStruct((N_NODES, DIM), jnp.float32),
    )(parts, y, deg_p)
    return out

# --- scband reference (transcript-rebuilt; emitter-appended) ---
"""Pipeline reference for scband-gcnconv-18837726560773 (READ-ONLY COPY).

The authoritative reference and input builder live on the scoring server;
editing this copy changes nothing except your own understanding.
"""

import jax, jax.numpy as jnp
import numpy as np

N_NODES = 10000
N_EDGES = 320000
DIM_IN = 128
DIM_OUT = 128


def setup_inputs(seed: int = 0) -> dict:
    key = jax.random.key(seed)
    k1, k2, k3 = jax.random.split(key, 3)
    x = jax.random.normal(k1, (N_NODES, DIM_IN), dtype=jnp.float32)
    edge_index = jax.random.randint(k2, (2, N_EDGES), 0, N_NODES, dtype=jnp.int64)
    # GCNConv weight (glorot init), no bias (bias=False)
    limit = float(np.sqrt(6.0 / (DIM_IN + DIM_OUT)))
    W = jax.random.uniform(k3, (DIM_IN, DIM_OUT), dtype=jnp.float32, minval=-limit, maxval=limit)
    return {"node_feature": x, "edge_index": edge_index, "W": W}


def reference(node_feature, edge_index, W):
    # Faithful PyG GCNConv: out = D^{-1/2} (A + I) D^{-1/2} (X W)
    N = node_feature.shape[0]
    # add self loops
    loops = jnp.arange(N, dtype=edge_index.dtype)
    ei = jnp.concatenate([edge_index, jnp.stack([loops, loops], axis=0)], axis=1)
    row, col = ei[0], ei[1]
    # linear transform first (PyG applies lin before propagate)
    xw = node_feature @ W
    # gcn normalization with unit edge weights
    edge_weight = jnp.ones((ei.shape[1],), dtype=node_feature.dtype)
    deg = jnp.zeros((N,), dtype=node_feature.dtype).at[col].add(edge_weight)
    deg_inv_sqrt = jnp.where(deg > 0, jax.lax.rsqrt(jnp.maximum(deg, 1e-12)), 0.0)
    norm = deg_inv_sqrt[row] * edge_weight * deg_inv_sqrt[col]
    # message passing: gather from source (row), scatter-add into target (col)
    messages = xw[row] * norm[:, None]
    out = jnp.zeros((N, xw.shape[1]), dtype=node_feature.dtype).at[col].add(messages)
    return out

if __name__ == "__main__":
    import jax
    _d = setup_inputs()
    print(jax.jit(kernel)(*tuple(_d.values())))

</pallas_src>

<mosaic_0001>
#map = affine_map<(d0, d1) -> (0)>
#map1 = affine_map<(d0, d1) -> (0, 0, 0)>
module attributes {stable_mosaic.version = 14 : i64} {
  func.func @_deg_kernel(%arg0: i32, %arg1: i32, %arg2: memref<327680xi32, #tpu.memory_space<hbm>>, %arg3: memref<2x10000x128xf32, #tpu.memory_space<hbm>>, %arg4: memref<10240xi32, #tpu.memory_space<vmem>>, %arg5: memref<80x128xi32, #tpu.memory_space<vmem>>, %arg6: memref<128x128xf32, #tpu.memory_space<vmem>>, %arg7: memref<10016x128xf32, #tpu.memory_space<vmem_shared>>) attributes {dimension_semantics = [#tpu.dimension_semantics<core_parallel>, #tpu.dimension_semantics<subcore_parallel>], iteration_bounds = array<i64: 2, 16>, scalar_prefetch = 0 : i64, scratch_operands = 4 : i64, tpu.core_type = #tpu.core_type<sc_vector_subcore>, window_params = [{transform_indices = #map}, {transform_indices = #map1}]} {
    %mul3A = arith.constant 2 : i32
    %mul3A_0 = arith.muli %arg1, %mul3A : i32
    %add3A = arith.addi %mul3A_0, %arg0 : i32
    %mul3A_1 = arith.constant 10240 : i32
    %mul3A_2 = arith.muli %add3A, %mul3A_1 : i32
    %multiple_of3A = tpu.assume_multiple %mul3A_2, 8 : i32
    "tpu.region"() ({
      %run_scoped3A = tpu.sem_alloc : memref<!tpu.dma_semaphore, #tpu.memory_space<semaphore_mem>>
      %dma_start3A = tpu.memref_slice %arg2[%multiple_of3A] : memref<327680xi32, #tpu.memory_space<hbm>> -> memref<10240xi32, #tpu.memory_space<hbm>>
      %dma_start3A_47 = tpu.memref_slice %arg2[%multiple_of3A] : memref<327680xi32, #tpu.memory_space<hbm>> -> memref<10240xi32, #tpu.memory_space<hbm>>
      tpu.enqueue_dma source(%dma_start3A_47 : memref<10240xi32, #tpu.memory_space<hbm>>) target(%arg4 : memref<10240xi32, #tpu.memory_space<vmem>>) target_semaphore(%run_scoped3A : memref<!tpu.dma_semaphore, #tpu.memory_space<semaphore_mem>>)
      %dma_wait3A = tpu.memref_slice %arg2[%multiple_of3A] : memref<327680xi32, #tpu.memory_space<hbm>> -> memref<10240xi32, #tpu.memory_space<hbm>>
      %dma_wait3A_48 = tpu.memref_slice %arg2[%multiple_of3A] : memref<327680xi32, #tpu.memory_space<hbm>> -> memref<10240xi32, #tpu.memory_space<hbm>>
      tpu.wait_dma2 semaphore(%run_scoped3A : memref<!tpu.dma_semaphore, #tpu.memory_space<semaphore_mem>>) src(%dma_wait3A_48 : memref<10240xi32, #tpu.memory_space<hbm>>) dst(%arg4 : memref<10240xi32, #tpu.memory_space<vmem>>)
      tpu.yield
    }) : () -> ()
    %scan3A = arith.constant 0 : i32
    %scan3A_3 = arith.constant 0 : i32
    %scan3A_4 = arith.constant 80 : i32
    %scan3A_5 = arith.addi %scan3A_3, %scan3A_4 : i32
    %scan3A_6 = arith.constant 1 : i32
    %scan3A_7 = scf.for %scan3A_47 = %scan3A_3 to %scan3A_5 step %scan3A_6 iter_args(%scan3A_48 = %scan3A) -> (i32)  : i32 {
      %mul3A_49 = arith.constant 128 : i32
      %mul3A_50 = arith.muli %scan3A_47, %mul3A_49 : i32
      %add3A_51 = arith.constant 0 : i32
      %add3A_52 = arith.addi %mul3A_50, %add3A_51 : i32
      %get3A = arith.index_cast %add3A_52 : i32 to index
      %get3A_53 = tpu.vector_load %arg4[%get3A] {strides = array<i32>} : memref<10240xi32, #tpu.memory_space<vmem>>, vector<16xi32>,
      %get3A_54 = vector.shape_cast %get3A_53 : vector<16xi32> to vector<16xi32>
      %swap3A = arith.index_cast %scan3A_47 : i32 to index
      %swap3A_55 = arith.constant 0 : index
      %swap3A_56 = tpu.vector_load %arg5[%swap3A, %swap3A_55] {strides = array<i32>} : memref<80x128xi32, #tpu.memory_space<vmem>>, vector<1x16xi32>,
      %swap3A_57 = vector.shape_cast %swap3A_56 : vector<1x16xi32> to vector<16xi32>
      %swap3A_58 = vector.shape_cast %get3A_54 : vector<16xi32> to vector<1x16xi32>
      tpu.vector_store %arg5[%swap3A, %swap3A_55], %swap3A_58 {strides = array<i32>} : memref<80x128xi32, #tpu.memory_space<vmem>>, vector<1x16xi32>,
      %mul3A_59 = arith.constant 128 : i32
      %mul3A_60 = arith.muli %scan3A_47, %mul3A_59 : i32
      %add3A_61 = arith.constant 16 : i32
      %add3A_62 = arith.addi %mul3A_60, %add3A_61 : i32
      %get3A_63 = arith.index_cast %add3A_62 : i32 to index
      %get3A_64 = tpu.vector_load %arg4[%get3A_63] {strides = array<i32>} : memref<10240xi32, #tpu.memory_space<vmem>>, vector<16xi32>,
      %get3A_65 = vector.shape_cast %get3A_64 : vector<16xi32> to vector<16xi32>
      %swap3A_66 = arith.index_cast %scan3A_47 : i32 to index
      %swap3A_67 = arith.constant 16 : index
      %swap3A_68 = tpu.vector_load %arg5[%swap3A_66, %swap3A_67] {strides = array<i32>} : memref<80x128xi32, #tpu.memory_space<vmem>>, vector<1x16xi32>,
      %swap3A_69 = vector.shape_cast %swap3A_68 : vector<1x16xi32> to vector<16xi32>
      %swap3A_70 = vector.shape_cast %get3A_65 : vector<16xi32> to vector<1x16xi32>
      tpu.vector_store %arg5[%swap3A_66, %swap3A_67], %swap3A_70 {strides = array<i32>} : memref<80x128xi32, #tpu.memory_space<vmem>>, vector<1x16xi32>,
      %mul3A_71 = arith.constant 128 : i32
      %mul3A_72 = arith.muli %scan3A_47, %mul3A_71 : i32
      %add3A_73 = arith.constant 32 : i32
      %add3A_74 = arith.addi %mul3A_72, %add3A_73 : i32
      %get3A_75 = arith.index_cast %add3A_74 : i32 to index
      %get3A_76 = tpu.vector_load %arg4[%get3A_75] {strides = array<i32>} : memref<10240xi32, #tpu.memory_space<vmem>>, vector<16xi32>,
      %get3A_77 = vector.shape_cast %get3A_76 : vector<16xi32> to vector<16xi32>
      %swap3A_78 = arith.index_cast %scan3A_47 : i32 to index
      %swap3A_79 = arith.constant 32 : index
      %swap3A_80 = tpu.vector_load %arg5[%swap3A_78, %swap3A_79] {strides = array<i32>} : memref<80x128xi32, #tpu.memory_space<vmem>>, vector<1x16xi32>,
      %swap3A_81 = vector.shape_cast %swap3A_80 : vector<1x16xi32> to vector<16xi32>
      %swap3A_82 = vector.shape_cast %get3A_77 : vector<16xi32> to vector<1x16xi32>
      tpu.vector_store %arg5[%swap3A_78, %swap3A_79], %swap3A_82 {strides = array<i32>} : memref<80x128xi32, #tpu.memory_space<vmem>>, vector<1x16xi32>,
      %mul3A_83 = arith.constant 128 : i32
      %mul3A_84 = arith.muli %scan3A_47, %mul3A_83 : i32
      %add3A_85 = arith.constant 48 : i32
      %add3A_86 = arith.addi %mul3A_84, %add3A_85 : i32
      %get3A_87 = arith.index_cast %add3A_86 : i32 to index
      %get3A_88 = tpu.vector_load %arg4[%get3A_87] {strides = array<i32>} : memref<10240xi32, #tpu.memory_space<vmem>>, vector<16xi32>,
      %get3A_89 = vector.shape_cast %get3A_88 : vector<16xi32> to vector<16xi32>
      %swap3A_90 = arith.index_cast %scan3A_47 : i32 to index
      %swap3A_91 = arith.constant 48 : index
      %swap3A_92 = tpu.vector_load %arg5[%swap3A_90, %swap3A_91] {strides = array<i32>} : memref<80x128xi32, #tpu.memory_space<vmem>>, vector<1x16xi32>,
      %swap3A_93 = vector.shape_cast %swap3A_92 : vector<1x16xi32> to vector<16xi32>
      %swap3A_94 = vector.shape_cast %get3A_89 : vector<16xi32> to vector<1x16xi32>
      tpu.vector_store %arg5[%swap3A_90, %swap3A_91], %swap3A_94 {strides = array<i32>} : memref<80x128xi32, #tpu.memory_space<vmem>>, vector<1x16xi32>,
      %mul3A_95 = arith.constant 128 : i32
      %mul3A_96 = arith.muli %scan3A_47, %mul3A_95 : i32
      %add3A_97 = arith.constant 64 : i32
      %add3A_98 = arith.addi %mul3A_96, %add3A_97 : i32
      %get3A_99 = arith.index_cast %add3A_98 : i32 to index
      %get3A_100 = tpu.vector_load %arg4[%get3A_99] {strides = array<i32>} : memref<10240xi32, #tpu.memory_space<vmem>>, vector<16xi32>,
      %get3A_101 = vector.shape_cast %get3A_100 : vector<16xi32> to vector<16xi32>
      %swap3A_102 = arith.index_cast %scan3A_47 : i32 to index
      %swap3A_103 = arith.constant 64 : index
      %swap3A_104 = tpu.vector_load %arg5[%swap3A_102, %swap3A_103] {strides = array<i32>} : memref<80x128xi32, #tpu.memory_space<vmem>>, vector<1x16xi32>,
      %swap3A_105 = vector.shape_cast %swap3A_104 : vector<1x16xi32> to vector<16xi32>
      %swap3A_106 = vector.shape_cast %get3A_101 : vector<16xi32> to vector<1x16xi32>
      tpu.vector_store %arg5[%swap3A_102, %swap3A_103], %swap3A_106 {strides = array<i32>} : memref<80x128xi32, #tpu.memory_space<vmem>>, vector<1x16xi32>,
      %mul3A_107 = arith.constant 128 : i32
      %mul3A_108 = arith.muli %scan3A_47, %mul3A_107 : i32
      %add3A_109 = arith.constant 80 : i32
      %add3A_110 = arith.addi %mul3A_108, %add3A_109 : i32
      %get3A_111 = arith.index_cast %add3A_110 : i32 to index
      %get3A_112 = tpu.vector_load %arg4[%get3A_111] {strides = array<i32>} : memref<10240xi32, #tpu.memory_space<vmem>>, vector<16xi32>,
      %get3A_113 = vector.shape_cast %get3A_112 : vector<16xi32> to vector<16xi32>
      %swap3A_114 = arith.index_cast %scan3A_47 : i32 to index
      %swap3A_115 = arith.constant 80 : index
      %swap3A_116 = tpu.vector_load %arg5[%swap3A_114, %swap3A_115] {strides = array<i32>} : memref<80x128xi32, #tpu.memory_space<vmem>>, vector<1x16xi32>,
      %swap3A_117 = vector.shape_cast %swap3A_116 : vector<1x16xi32> to vector<16xi32>
      %swap3A_118 = vector.shape_cast %get3A_113 : vector<16xi32> to vector<1x16xi32>
      tpu.vector_store %arg5[%swap3A_114, %swap3A_115], %swap3A_118 {strides = array<i32>} : memref<80x128xi32, #tpu.memory_space<vmem>>, vector<1x16xi32>,
      %mul3A_119 = arith.constant 128 : i32
      %mul3A_120 = arith.muli %scan3A_47, %mul3A_119 : i32
      %add3A_121 = arith.constant 96 : i32
      %add3A_122 = arith.addi %mul3A_120, %add3A_121 : i32
      %get3A_123 = arith.index_cast %add3A_122 : i32 to index
      %get3A_124 = tpu.vector_load %arg4[%get3A_123] {strides = array<i32>} : memref<10240xi32, #tpu.memory_space<vmem>>, vector<16xi32>,
      %get3A_125 = vector.shape_cast %get3A_124 : vector<16xi32> to vector<16xi32>
      %swap3A_126 = arith.index_cast %scan3A_47 : i32 to index
      %swap3A_127 = arith.constant 96 : index
      %swap3A_128 = tpu.vector_load %arg5[%swap3A_126, %swap3A_127] {strides = array<i32>} : memref<80x128xi32, #tpu.memory_space<vmem>>, vector<1x16xi32>,
      %swap3A_129 = vector.shape_cast %swap3A_128 : vector<1x16xi32> to vector<16xi32>
      %swap3A_130 = vector.shape_cast %get3A_125 : vector<16xi32> to vector<1x16xi32>
      tpu.vector_store %arg5[%swap3A_126, %swap3A_127], %swap3A_130 {strides = array<i32>} : memref<80x128xi32, #tpu.memory_space<vmem>>, vector<1x16xi32>,
      %mul3A_131 = arith.constant 128 : i32
      %mul3A_132 = arith.muli %scan3A_47, %mul3A_131 : i32
      %add3A_133 = arith.constant 112 : i32
      %add3A_134 = arith.addi %mul3A_132, %add3A_133 : i32
      %get3A_135 = arith.index_cast %add3A_134 : i32 to index
      %get3A_136 = tpu.vector_load %arg4[%get3A_135] {strides = array<i32>} : memref<10240xi32, #tpu.memory_space<vmem>>, vector<16xi32>,
      %get3A_137 = vector.shape_cast %get3A_136 : vector<16xi32> to vector<16xi32>
      %swap3A_138 = arith.index_cast %scan3A_47 : i32 to index
      %swap3A_139 = arith.constant 112 : index
      %swap3A_140 = tpu.vector_load %arg5[%swap3A_138, %swap3A_139] {strides = array<i32>} : memref<80x128xi32, #tpu.memory_space<vmem>>, vector<1x16xi32>,
      %swap3A_141 = vector.shape_cast %swap3A_140 : vector<1x16xi32> to vector<16xi32>
      %swap3A_142 = vector.shape_cast %get3A_137 : vector<16xi32> to vector<1x16xi32>
      tpu.vector_store %arg5[%swap3A_138, %swap3A_139], %swap3A_142 {strides = array<i32>} : memref<80x128xi32, #tpu.memory_space<vmem>>, vector<1x16xi32>,
      %scan3A_143 = arith.constant 0 : i32
      scf.yield %scan3A_143 : i32
    }
    %scan3A_8 = arith.constant 80 : i32
    %scan3A_9 = arith.constant 0 : i32
    %scan3A_10 = arith.constant 0 : i32
    %scan3A_11 = arith.constant 128 : i32
    %scan3A_12 = arith.addi %scan3A_10, %scan3A_11 : i32
    %scan3A_13 = arith.constant 1 : i32
    %scan3A_14 = scf.for %scan3A_47 = %scan3A_10 to %scan3A_12 step %scan3A_13 iter_args(%scan3A_48 = %scan3A_9) -> (i32)  : i32 {
      %broadcast_in_dim3A = arith.constant 0.000000e+00 : f32
      %broadcast_in_dim3A_49 = vector.broadcast %broadcast_in_dim3A : f32 to vector<16xf32>
      %swap3A = arith.index_cast %scan3A_47 : i32 to index
      %swap3A_50 = arith.constant 0 : index
      %swap3A_51 = tpu.vector_load %arg6[%swap3A, %swap3A_50] {strides = array<i32>} : memref<128x128xf32, #tpu.memory_space<vmem>>, vector<1x16xf32>,
      %swap3A_52 = vector.shape_cast %swap3A_51 : vector<1x16xf32> to vector<16xf32>
      %swap3A_53 = vector.shape_cast %broadcast_in_dim3A_49 : vector<16xf32> to vector<1x16xf32>
      tpu.vector_store %arg6[%swap3A, %swap3A_50], %swap3A_53 {strides = array<i32>} : memref<128x128xf32, #tpu.memory_space<vmem>>, vector<1x16xf32>,
      %broadcast_in_dim3A_54 = arith.constant 0.000000e+00 : f32
      %broadcast_in_dim3A_55 = vector.broadcast %broadcast_in_dim3A_54 : f32 to vector<16xf32>
      %swap3A_56 = arith.index_cast %scan3A_47 : i32 to index
      %swap3A_57 = arith.constant 16 : index
      %swap3A_58 = tpu.vector_load %arg6[%swap3A_56, %swap3A_57] {strides = array<i32>} : memref<128x128xf32, #tpu.memory_space<vmem>>, vector<1x16xf32>,
      %swap3A_59 = vector.shape_cast %swap3A_58 : vector<1x16xf32> to vector<16xf32>
      %swap3A_60 = vector.shape_cast %broadcast_in_dim3A_55 : vector<16xf32> to vector<1x16xf32>
      tpu.vector_store %arg6[%swap3A_56, %swap3A_57], %swap3A_60 {strides = array<i32>} : memref<128x128xf32, #tpu.memory_space<vmem>>, vector<1x16xf32>,
      %broadcast_in_dim3A_61 = arith.constant 0.000000e+00 : f32
      %broadcast_in_dim3A_62 = vector.broadcast %broadcast_in_dim3A_61 : f32 to vector<16xf32>
      %swap3A_63 = arith.index_cast %scan3A_47 : i32 to index
      %swap3A_64 = arith.constant 32 : index
      %swap3A_65 = tpu.vector_load %arg6[%swap3A_63, %swap3A_64] {strides = array<i32>} : memref<128x128xf32, #tpu.memory_space<vmem>>, vector<1x16xf32>,
      %swap3A_66 = vector.shape_cast %swap3A_65 : vector<1x16xf32> to vector<16xf32>
      %swap3A_67 = vector.shape_cast %broadcast_in_dim3A_62 : vector<16xf32> to vector<1x16xf32>
      tpu.vector_store %arg6[%swap3A_63, %swap3A_64], %swap3A_67 {strides = array<i32>} : memref<128x128xf32, #tpu.memory_space<vmem>>, vector<1x16xf32>,
      %broadcast_in_dim3A_68 = arith.constant 0.000000e+00 : f32
      %broadcast_in_dim3A_69 = vector.broadcast %broadcast_in_dim3A_68 : f32 to vector<16xf32>
      %swap3A_70 = arith.index_cast %scan3A_47 : i32 to index
      %swap3A_71 = arith.constant 48 : index
      %swap3A_72 = tpu.vector_load %arg6[%swap3A_70, %swap3A_71] {strides = array<i32>} : memref<128x128xf32, #tpu.memory_space<vmem>>, vector<1x16xf32>,
      %swap3A_73 = vector.shape_cast %swap3A_72 : vector<1x16xf32> to vector<16xf32>
      %swap3A_74 = vector.shape_cast %broadcast_in_dim3A_69 : vector<16xf32> to vector<1x16xf32>
      tpu.vector_store %arg6[%swap3A_70, %swap3A_71], %swap3A_74 {strides = array<i32>} : memref<128x128xf32, #tpu.memory_space<vmem>>, vector<1x16xf32>,
      %broadcast_in_dim3A_75 = arith.constant 0.000000e+00 : f32
      %broadcast_in_dim3A_76 = vector.broadcast %broadcast_in_dim3A_75 : f32 to vector<16xf32>
      %swap3A_77 = arith.index_cast %scan3A_47 : i32 to index
      %swap3A_78 = arith.constant 64 : index
      %swap3A_79 = tpu.vector_load %arg6[%swap3A_77, %swap3A_78] {strides = array<i32>} : memref<128x128xf32, #tpu.memory_space<vmem>>, vector<1x16xf32>,
      %swap3A_80 = vector.shape_cast %swap3A_79 : vector<1x16xf32> to vector<16xf32>
      %swap3A_81 = vector.shape_cast %broadcast_in_dim3A_76 : vector<16xf32> to vector<1x16xf32>
      tpu.vector_store %arg6[%swap3A_77, %swap3A_78], %swap3A_81 {strides = array<i32>} : memref<128x128xf32, #tpu.memory_space<vmem>>, vector<1x16xf32>,
      %broadcast_in_dim3A_82 = arith.constant 0.000000e+00 : f32
      %broadcast_in_dim3A_83 = vector.broadcast %broadcast_in_dim3A_82 : f32 to vector<16xf32>
      %swap3A_84 = arith.index_cast %scan3A_47 : i32 to index
      %swap3A_85 = arith.constant 80 : index
      %swap3A_86 = tpu.vector_load %arg6[%swap3A_84, %swap3A_85] {strides = array<i32>} : memref<128x128xf32, #tpu.memory_space<vmem>>, vector<1x16xf32>,
      %swap3A_87 = vector.shape_cast %swap3A_86 : vector<1x16xf32> to vector<16xf32>
      %swap3A_88 = vector.shape_cast %broadcast_in_dim3A_83 : vector<16xf32> to vector<1x16xf32>
      tpu.vector_store %arg6[%swap3A_84, %swap3A_85], %swap3A_88 {strides = array<i32>} : memref<128x128xf32, #tpu.memory_space<vmem>>, vector<1x16xf32>,
      %broadcast_in_dim3A_89 = arith.constant 0.000000e+00 : f32
      %broadcast_in_dim3A_90 = vector.broadcast %broadcast_in_dim3A_89 : f32 to vector<16xf32>
      %swap3A_91 = arith.index_cast %scan3A_47 : i32 to index
      %swap3A_92 = arith.constant 96 : index
      %swap3A_93 = tpu.vector_load %arg6[%swap3A_91, %swap3A_92] {strides = array<i32>} : memref<128x128xf32, #tpu.memory_space<vmem>>, vector<1x16xf32>,
      %swap3A_94 = vector.shape_cast %swap3A_93 : vector<1x16xf32> to vector<16xf32>
      %swap3A_95 = vector.shape_cast %broadcast_in_dim3A_90 : vector<16xf32> to vector<1x16xf32>
      tpu.vector_store %arg6[%swap3A_91, %swap3A_92], %swap3A_95 {strides = array<i32>} : memref<128x128xf32, #tpu.memory_space<vmem>>, vector<1x16xf32>,
      %broadcast_in_dim3A_96 = arith.constant 0.000000e+00 : f32
      %broadcast_in_dim3A_97 = vector.broadcast %broadcast_in_dim3A_96 : f32 to vector<16xf32>
      %swap3A_98 = arith.index_cast %scan3A_47 : i32 to index
      %swap3A_99 = arith.constant 112 : index
      %swap3A_100 = tpu.vector_load %arg6[%swap3A_98, %swap3A_99] {strides = array<i32>} : memref<128x128xf32, #tpu.memory_space<vmem>>, vector<1x16xf32>,
      %swap3A_101 = vector.shape_cast %swap3A_100 : vector<1x16xf32> to vector<16xf32>
      %swap3A_102 = vector.shape_cast %broadcast_in_dim3A_97 : vector<16xf32> to vector<1x16xf32>
      tpu.vector_store %arg6[%swap3A_98, %swap3A_99], %swap3A_102 {strides = array<i32>} : memref<128x128xf32, #tpu.memory_space<vmem>>, vector<1x16xf32>,
      %scan3A_103 = arith.constant 0 : i32
      scf.yield %scan3A_103 : i32
    }
    %scan3A_15 = arith.constant 128 : i32
    %lt3A = arith.constant 15 : i32
    %lt3A_16 = arith.cmpi slt, %arg1, %lt3A : i32
    %convert_element_type3A = arith.extui %lt3A_16 : i1 to i32
    %cond3A = arith.constant 0 : i32
    %cond3A_17 = arith.cmpi ne, %convert_element_type3A, %cond3A : i32
    scf.if %cond3A_17 {
      %mul3A_47 = arith.constant 632 : i32
      %mul3A_48 = arith.muli %arg1, %mul3A_47 : i32
      %multiple_of3A_49 = tpu.assume_multiple %mul3A_48, 8 : i32
      %add3A_50 = arith.constant 0 : i32
      %add3A_51 = arith.addi %multiple_of3A_49, %add3A_50 : i32
      "tpu.region"() ({
        %run_scoped3A = tpu.sem_alloc : memref<!tpu.dma_semaphore, #tpu.memory_space<semaphore_mem>>
        %dma_start3A = arith.constant 0 : i32
        %dma_start3A_60 = tpu.memref_slice %arg7[%add3A_51, %dma_start3A] : memref<10016x128xf32, #tpu.memory_space<vmem_shared>> -> memref<128x128xf32, #tpu.memory_space<vmem_shared>>
        %dma_start3A_61 = arith.constant 0 : i32
        %dma_start3A_62 = tpu.memref_slice %arg7[%add3A_51, %dma_start3A_61] : memref<10016x128xf32, #tpu.memory_space<vmem_shared>> -> memref<128x128xf32, #tpu.memory_space<vmem_shared>>
        tpu.enqueue_dma source(%arg6 : memref<128x128xf32, #tpu.memory_space<vmem>>) target(%dma_start3A_62 : memref<128x128xf32, #tpu.memory_space<vmem_shared>>) target_semaphore(%run_scoped3A : memref<!tpu.dma_semaphore, #tpu.memory_space<semaphore_mem>>)
        %dma_wait3A = arith.constant 0 : i32
        %dma_wait3A_63 = tpu.memref_slice %arg7[%add3A_51, %dma_wait3A] : memref<10016x128xf32, #tpu.memory_space<vmem_shared>> -> memref<128x128xf32, #tpu.memory_space<vmem_shared>>
        %dma_wait3A_64 = arith.constant 0 : i32
        %dma_wait3A_65 = tpu.memref_slice %arg7[%add3A_51, %dma_wait3A_64] : memref<10016x128xf32, #tpu.memory_space<vmem_shared>> -> memref<128x128xf32, #tpu.memory_space<vmem_shared>>
        tpu.wait_dma2 semaphore(%run_scoped3A : memref<!tpu.dma_semaphore, #tpu.memory_space<semaphore_mem>>) src(%arg6 : memref<128x128xf32, #tpu.memory_space<vmem>>) dst(%dma_wait3A_65 : memref<128x128xf32, #tpu.memory_space<vmem_shared>>)
        tpu.yield
      }) : () -> ()
      %add3A_52 = arith.constant 128 : i32
      %add3A_53 = arith.addi %multiple_of3A_49, %add3A_52 : i32
      "tpu.region"() ({
        %run_scoped3A = tpu.sem_alloc : memref<!tpu.dma_semaphore, #tpu.memory_space<semaphore_mem>>
        %dma_start3A = arith.constant 0 : i32
        %dma_start3A_60 = tpu.memref_slice %arg7[%add3A_53, %dma_start3A] : memref<10016x128xf32, #tpu.memory_space<vmem_shared>> -> memref<128x128xf32, #tpu.memory_space<vmem_shared>>
        %dma_start3A_61 = arith.constant 0 : i32
        %dma_start3A_62 = tpu.memref_slice %arg7[%add3A_53, %dma_start3A_61] : memref<10016x128xf32, #tpu.memory_space<vmem_shared>> -> memref<128x128xf32, #tpu.memory_space<vmem_shared>>
        tpu.enqueue_dma source(%arg6 : memref<128x128xf32, #tpu.memory_space<vmem>>) target(%dma_start3A_62 : memref<128x128xf32, #tpu.memory_space<vmem_shared>>) target_semaphore(%run_scoped3A : memref<!tpu.dma_semaphore, #tpu.memory_space<semaphore_mem>>)
        %dma_wait3A = arith.constant 0 : i32
        %dma_wait3A_63 = tpu.memref_slice %arg7[%add3A_53, %dma_wait3A] : memref<10016x128xf32, #tpu.memory_space<vmem_shared>> -> memref<128x128xf32, #tpu.memory_space<vmem_shared>>
        %dma_wait3A_64 = arith.constant 0 : i32
        %dma_wait3A_65 = tpu.memref_slice %arg7[%add3A_53, %dma_wait3A_64] : memref<10016x128xf32, #tpu.memory_space<vmem_shared>> -> memref<128x128xf32, #tpu.memory_space<vmem_shared>>
        tpu.wait_dma2 semaphore(%run_scoped3A : memref<!tpu.dma_semaphore, #tpu.memory_space<semaphore_mem>>) src(%arg6 : memref<128x128xf32, #tpu.memory_space<vmem>>) dst(%dma_wait3A_65 : memref<128x128xf32, #tpu.memory_space<vmem_shared>>)
        tpu.yield
      }) : () -> ()
      %add3A_54 = arith.constant 256 : i32
      %add3A_55 = arith.addi %multiple_of3A_49, %add3A_54 : i32
      "tpu.region"() ({
        %run_scoped3A = tpu.sem_alloc : memref<!tpu.dma_semaphore, #tpu.memory_space<semaphore_mem>>
        %dma_start3A = arith.constant 0 : i32
        %dma_start3A_60 = tpu.memref_slice %arg7[%add3A_55, %dma_start3A] : memref<10016x128xf32, #tpu.memory_space<vmem_shared>> -> memref<128x128xf32, #tpu.memory_space<vmem_shared>>
        %dma_start3A_61 = arith.constant 0 : i32
        %dma_start3A_62 = tpu.memref_slice %arg7[%add3A_55, %dma_start3A_61] : memref<10016x128xf32, #tpu.memory_space<vmem_shared>> -> memref<128x128xf32, #tpu.memory_space<vmem_shared>>
        tpu.enqueue_dma source(%arg6 : memref<128x128xf32, #tpu.memory_space<vmem>>) target(%dma_start3A_62 : memref<128x128xf32, #tpu.memory_space<vmem_shared>>) target_semaphore(%run_scoped3A : memref<!tpu.dma_semaphore, #tpu.memory_space<semaphore_mem>>)
        %dma_wait3A = arith.constant 0 : i32
        %dma_wait3A_63 = tpu.memref_slice %arg7[%add3A_55, %dma_wait3A] : memref<10016x128xf32, #tpu.memory_space<vmem_shared>> -> memref<128x128xf32, #tpu.memory_space<vmem_shared>>
        %dma_wait3A_64 = arith.constant 0 : i32
        %dma_wait3A_65 = tpu.memref_slice %arg7[%add3A_55, %dma_wait3A_64] : memref<10016x128xf32, #tpu.memory_space<vmem_shared>> -> memref<128x128xf32, #tpu.memory_space<vmem_shared>>
        tpu.wait_dma2 semaphore(%run_scoped3A : memref<!tpu.dma_semaphore, #tpu.memory_space<semaphore_mem>>) src(%arg6 : memref<128x128xf32, #tpu.memory_space<vmem>>) dst(%dma_wait3A_65 : memref<128x128xf32, #tpu.memory_space<vmem_shared>>)
        tpu.yield
      }) : () -> ()
      %add3A_56 = arith.constant 384 : i32
      %add3A_57 = arith.addi %multiple_of3A_49, %add3A_56 : i32
      "tpu.region"() ({
        %run_scoped3A = tpu.sem_alloc : memref<!tpu.dma_semaphore, #tpu.memory_space<semaphore_mem>>
        %dma_start3A = arith.constant 0 : i32
        %dma_start3A_60 = tpu.memref_slice %arg7[%add3A_57, %dma_start3A] : memref<10016x128xf32, #tpu.memory_space<vmem_shared>> -> memref<128x128xf32, #tpu.memory_space<vmem_shared>>
        %dma_start3A_61 = arith.constant 0 : i32
        %dma_start3A_62 = tpu.memref_slice %arg7[%add3A_57, %dma_start3A_61] : memref<10016x128xf32, #tpu.memory_space<vmem_shared>> -> memref<128x128xf32, #tpu.memory_space<vmem_shared>>
        tpu.enqueue_dma source(%arg6 : memref<128x128xf32, #tpu.memory_space<vmem>>) target(%dma_start3A_62 : memref<128x128xf32, #tpu.memory_space<vmem_shared>>) target_semaphore(%run_scoped3A : memref<!tpu.dma_semaphore, #tpu.memory_space<semaphore_mem>>)
        %dma_wait3A = arith.constant 0 : i32
        %dma_wait3A_63 = tpu.memref_slice %arg7[%add3A_57, %dma_wait3A] : memref<10016x128xf32, #tpu.memory_space<vmem_shared>> -> memref<128x128xf32, #tpu.memory_space<vmem_shared>>
        %dma_wait3A_64 = arith.constant 0 : i32
        %dma_wait3A_65 = tpu.memref_slice %arg7[%add3A_57, %dma_wait3A_64] : memref<10016x128xf32, #tpu.memory_space<vmem_shared>> -> memref<128x128xf32, #tpu.memory_space<vmem_shared>>
        tpu.wait_dma2 semaphore(%run_scoped3A : memref<!tpu.dma_semaphore, #tpu.memory_space<semaphore_mem>>) src(%arg6 : memref<128x128xf32, #tpu.memory_space<vmem>>) dst(%dma_wait3A_65 : memref<128x128xf32, #tpu.memory_space<vmem_shared>>)
        tpu.yield
      }) : () -> ()
      %add3A_58 = arith.constant 512 : i32
      %add3A_59 = arith.addi %multiple_of3A_49, %add3A_58 : i32
      "tpu.region"() ({
        %run_scoped3A = tpu.sem_alloc : memref<!tpu.dma_semaphore, #tpu.memory_space<semaphore_mem>>
        %dma_start3A = arith.constant 0 : i32
        %dma_start3A_60 = arith.constant 0 : i32
        %dma_start3A_61 = tpu.memref_slice %arg6[%dma_start3A, %dma_start3A_60] : memref<128x128xf32, #tpu.memory_space<vmem>> -> memref<120x128xf32, #tpu.memory_space<vmem>>
        %dma_start3A_62 = arith.constant 0 : i32
        %dma_start3A_63 = tpu.memref_slice %arg7[%add3A_59, %dma_start3A_62] : memref<10016x128xf32, #tpu.memory_space<vmem_shared>> -> memref<120x128xf32, #tpu.memory_space<vmem_shared>>
        %dma_start3A_64 = arith.constant 0 : i32
        %dma_start3A_65 = tpu.memref_slice %arg7[%add3A_59, %dma_start3A_64] : memref<10016x128xf32, #tpu.memory_space<vmem_shared>> -> memref<120x128xf32, #tpu.memory_space<vmem_shared>>
        %dma_start3A_66 = arith.constant 0 : i32
        %dma_start3A_67 = arith.constant 0 : i32
        %dma_start3A_68 = tpu.memref_slice %arg6[%dma_start3A_66, %dma_start3A_67] : memref<128x128xf32, #tpu.memory_space<vmem>> -> memref<120x128xf32, #tpu.memory_space<vmem>>
        tpu.enqueue_dma source(%dma_start3A_68 : memref<120x128xf32, #tpu.memory_space<vmem>>) target(%dma_start3A_65 : memref<120x128xf32, #tpu.memory_space<vmem_shared>>) target_semaphore(%run_scoped3A : memref<!tpu.dma_semaphore, #tpu.memory_space<semaphore_mem>>)
        %dma_wait3A = arith.constant 0 : i32
        %dma_wait3A_69 = arith.constant 0 : i32
        %dma_wait3A_70 = tpu.memref_slice %arg6[%dma_wait3A, %dma_wait3A_69] : memref<128x128xf32, #tpu.memory_space<vmem>> -> memref<120x128xf32, #tpu.memory_space<vmem>>
        %dma_wait3A_71 = arith.constant 0 : i32
        %dma_wait3A_72 = tpu.memref_slice %arg7[%add3A_59, %dma_wait3A_71] : memref<10016x128xf32, #tpu.memory_space<vmem_shared>> -> memref<120x128xf32, #tpu.memory_space<vmem_shared>>
        %dma_wait3A_73 = arith.constant 0 : i32
        %dma_wait3A_74 = tpu.memref_slice %arg7[%add3A_59, %dma_wait3A_73] : memref<10016x128xf32, #tpu.memory_space<vmem_shared>> -> memref<120x128xf32, #tpu.memory_space<vmem_shared>>
        %dma_wait3A_75 = arith.constant 0 : i32
        %dma_wait3A_76 = arith.constant 0 : i32
        %dma_wait3A_77 = tpu.memref_slice %arg6[%dma_wait3A_75, %dma_wait3A_76] : memref<128x128xf32, #tpu.memory_space<vmem>> -> memref<120x128xf32, #tpu.memory_space<vmem>>
        tpu.wait_dma2 semaphore(%run_scoped3A : memref<!tpu.dma_semaphore, #tpu.memory_space<semaphore_mem>>) src(%dma_wait3A_77 : memref<120x128xf32, #tpu.memory_space<vmem>>) dst(%dma_wait3A_74 : memref<120x128xf32, #tpu.memory_space<vmem_shared>>)
        tpu.yield
      }) : () -> ()
    } else {
    }
    %eq3A = arith.constant 15 : i32
    %eq3A_18 = arith.cmpi eq, %arg1, %eq3A : i32
    %convert_element_type3A_19 = arith.extui %eq3A_18 : i1 to i32
    %cond3A_20 = arith.constant 0 : i32
    %cond3A_21 = arith.cmpi ne, %convert_element_type3A_19, %cond3A_20 : i32
    scf.if %cond3A_21 {
      "tpu.region"() ({
        %run_scoped3A = tpu.sem_alloc : memref<!tpu.dma_semaphore, #tpu.memory_space<semaphore_mem>>
        %dma_start3A = arith.constant 9480 : i32
        %dma_start3A_47 = arith.constant 0 : i32
        %dma_start3A_48 = tpu.memref_slice %arg7[%dma_start3A, %dma_start3A_47] : memref<10016x128xf32, #tpu.memory_space<vmem_shared>> -> memref<128x128xf32, #tpu.memory_space<vmem_shared>>
        %dma_start3A_49 = arith.constant 9480 : i32
        %dma_start3A_50 = arith.constant 0 : i32
        %dma_start3A_51 = tpu.memref_slice %arg7[%dma_start3A_49, %dma_start3A_50] : memref<10016x128xf32, #tpu.memory_space<vmem_shared>> -> memref<128x128xf32, #tpu.memory_space<vmem_shared>>
        tpu.enqueue_dma source(%arg6 : memref<128x128xf32, #tpu.memory_space<vmem>>) target(%dma_start3A_51 : memref<128x128xf32, #tpu.memory_space<vmem_shared>>) target_semaphore(%run_scoped3A : memref<!tpu.dma_semaphore, #tpu.memory_space<semaphore_mem>>)
        %dma_wait3A = arith.constant 9480 : i32
        %dma_wait3A_52 = arith.constant 0 : i32
        %dma_wait3A_53 = tpu.memref_slice %arg7[%dma_wait3A, %dma_wait3A_52] : memref<10016x128xf32, #tpu.memory_space<vmem_shared>> -> memref<128x128xf32, #tpu.memory_space<vmem_shared>>
        %dma_wait3A_54 = arith.constant 9480 : i32
        %dma_wait3A_55 = arith.constant 0 : i32
        %dma_wait3A_56 = tpu.memref_slice %arg7[%dma_wait3A_54, %dma_wait3A_55] : memref<10016x128xf32, #tpu.memory_space<vmem_shared>> -> memref<128x128xf32, #tpu.memory_space<vmem_shared>>
        tpu.wait_dma2 semaphore(%run_scoped3A : memref<!tpu.dma_semaphore, #tpu.memory_space<semaphore_mem>>) src(%arg6 : memref<128x128xf32, #tpu.memory_space<vmem>>) dst(%dma_wait3A_56 : memref<128x128xf32, #tpu.memory_space<vmem_shared>>)
        tpu.yield
      }) : () -> ()
      "tpu.region"() ({
        %run_scoped3A = tpu.sem_alloc : memref<!tpu.dma_semaphore, #tpu.memory_space<semaphore_mem>>
        %dma_start3A = arith.constant 9608 : i32
        %dma_start3A_47 = arith.constant 0 : i32
        %dma_start3A_48 = tpu.memref_slice %arg7[%dma_start3A, %dma_start3A_47] : memref<10016x128xf32, #tpu.memory_space<vmem_shared>> -> memref<128x128xf32, #tpu.memory_space<vmem_shared>>
        %dma_start3A_49 = arith.constant 9608 : i32
        %dma_start3A_50 = arith.constant 0 : i32
        %dma_start3A_51 = tpu.memref_slice %arg7[%dma_start3A_49, %dma_start3A_50] : memref<10016x128xf32, #tpu.memory_space<vmem_shared>> -> memref<128x128xf32, #tpu.memory_space<vmem_shared>>
        tpu.enqueue_dma source(%arg6 : memref<128x128xf32, #tpu.memory_space<vmem>>) target(%dma_start3A_51 : memref<128x128xf32, #tpu.memory_space<vmem_shared>>) target_semaphore(%run_scoped3A : memref<!tpu.dma_semaphore, #tpu.memory_space<semaphore_mem>>)
        %dma_wait3A = arith.constant 9608 : i32
        %dma_wait3A_52 = arith.constant 0 : i32
        %dma_wait3A_53 = tpu.memref_slice %arg7[%dma_wait3A, %dma_wait3A_52] : memref<10016x128xf32, #tpu.memory_space<vmem_shared>> -> memref<128x128xf32, #tpu.memory_space<vmem_shared>>
        %dma_wait3A_54 = arith.constant 9608 : i32
        %dma_wait3A_55 = arith.constant 0 : i32
        %dma_wait3A_56 = tpu.memref_slice %arg7[%dma_wait3A_54, %dma_wait3A_55] : memref<10016x128xf32, #tpu.memory_space<vmem_shared>> -> memref<128x128xf32, #tpu.memory_space<vmem_shared>>
        tpu.wait_dma2 semaphore(%run_scoped3A : memref<!tpu.dma_semaphore, #tpu.memory_space<semaphore_mem>>) src(%arg6 : memref<128x128xf32, #tpu.memory_space<vmem>>) dst(%dma_wait3A_56 : memref<128x128xf32, #tpu.memory_space<vmem_shared>>)
        tpu.yield
      }) : () -> ()
      "tpu.region"() ({
        %run_scoped3A = tpu.sem_alloc : memref<!tpu.dma_semaphore, #tpu.memory_space<semaphore_mem>>
        %dma_start3A = arith.constant 9736 : i32
        %dma_start3A_47 = arith.constant 0 : i32
        %dma_start3A_48 = tpu.memref_slice %arg7[%dma_start3A, %dma_start3A_47] : memref<10016x128xf32, #tpu.memory_space<vmem_shared>> -> memref<128x128xf32, #tpu.memory_space<vmem_shared>>
        %dma_start3A_49 = arith.constant 9736 : i32
        %dma_start3A_50 = arith.constant 0 : i32
        %dma_start3A_51 = tpu.memref_slice %arg7[%dma_start3A_49, %dma_start3A_50] : memref<10016x128xf32, #tpu.memory_space<vmem_shared>> -> memref<128x128xf32, #tpu.memory_space<vmem_shared>>
        tpu.enqueue_dma source(%arg6 : memref<128x128xf32, #tpu.memory_space<vmem>>) target(%dma_start3A_51 : memref<128x128xf32, #tpu.memory_space<vmem_shared>>) target_semaphore(%run_scoped3A : memref<!tpu.dma_semaphore, #tpu.memory_space<semaphore_mem>>)
        %dma_wait3A = arith.constant 9736 : i32
        %dma_wait3A_52 = arith.constant 0 : i32
        %dma_wait3A_53 = tpu.memref_slice %arg7[%dma_wait3A, %dma_wait3A_52] : memref<10016x128xf32, #tpu.memory_space<vmem_shared>> -> memref<128x128xf32, #tpu.memory_space<vmem_shared>>
        %dma_wait3A_54 = arith.constant 9736 : i32
        %dma_wait3A_55 = arith.constant 0 : i32
        %dma_wait3A_56 = tpu.memref_slice %arg7[%dma_wait3A_54, %dma_wait3A_55] : memref<10016x128xf32, #tpu.memory_space<vmem_shared>> -> memref<128x128xf32, #tpu.memory_space<vmem_shared>>
        tpu.wait_dma2 semaphore(%run_scoped3A : memref<!tpu.dma_semaphore, #tpu.memory_space<semaphore_mem>>) src(%arg6 : memref<128x128xf32, #tpu.memory_space<vmem>>) dst(%dma_wait3A_56 : memref<128x128xf32, #tpu.memory_space<vmem_shared>>)
        tpu.yield
      }) : () -> ()
      "tpu.region"() ({
        %run_scoped3A = tpu.sem_alloc : memref<!tpu.dma_semaphore, #tpu.memory_space<semaphore_mem>>
        %dma_start3A = arith.constant 9864 : i32
        %dma_start3A_47 = arith.constant 0 : i32
        %dma_start3A_48 = tpu.memref_slice %arg7[%dma_start3A, %dma_start3A_47] : memref<10016x128xf32, #tpu.memory_space<vmem_shared>> -> memref<128x128xf32, #tpu.memory_space<vmem_shared>>
        %dma_start3A_49 = arith.constant 9864 : i32
        %dma_start3A_50 = arith.constant 0 : i32
        %dma_start3A_51 = tpu.memref_slice %arg7[%dma_start3A_49, %dma_start3A_50] : memref<10016x128xf32, #tpu.memory_space<vmem_shared>> -> memref<128x128xf32, #tpu.memory_space<vmem_shared>>
        tpu.enqueue_dma source(%arg6 : memref<128x128xf32, #tpu.memory_space<vmem>>) target(%dma_start3A_51 : memref<128x128xf32, #tpu.memory_space<vmem_shared>>) target_semaphore(%run_scoped3A : memref<!tpu.dma_semaphore, #tpu.memory_space<semaphore_mem>>)
        %dma_wait3A = arith.constant 9864 : i32
        %dma_wait3A_52 = arith.constant 0 : i32
        %dma_wait3A_53 = tpu.memref_slice %arg7[%dma_wait3A, %dma_wait3A_52] : memref<10016x128xf32, #tpu.memory_space<vmem_shared>> -> memref<128x128xf32, #tpu.memory_space<vmem_shared>>
        %dma_wait3A_54 = arith.constant 9864 : i32
        %dma_wait3A_55 = arith.constant 0 : i32
        %dma_wait3A_56 = tpu.memref_slice %arg7[%dma_wait3A_54, %dma_wait3A_55] : memref<10016x128xf32, #tpu.memory_space<vmem_shared>> -> memref<128x128xf32, #tpu.memory_space<vmem_shared>>
        tpu.wait_dma2 semaphore(%run_scoped3A : memref<!tpu.dma_semaphore, #tpu.memory_space<semaphore_mem>>) src(%arg6 : memref<128x128xf32, #tpu.memory_space<vmem>>) dst(%dma_wait3A_56 : memref<128x128xf32, #tpu.memory_space<vmem_shared>>)
        tpu.yield
      }) : () -> ()
      "tpu.region"() ({
        %run_scoped3A = tpu.sem_alloc : memref<!tpu.dma_semaphore, #tpu.memory_space<semaphore_mem>>
        %dma_start3A = arith.constant 0 : i32
        %dma_start3A_47 = arith.constant 0 : i32
        %dma_start3A_48 = tpu.memref_slice %arg6[%dma_start3A, %dma_start3A_47] : memref<128x128xf32, #tpu.memory_space<vmem>> -> memref<24x128xf32, #tpu.memory_space<vmem>>
        %dma_start3A_49 = arith.constant 9992 : i32
        %dma_start3A_50 = arith.constant 0 : i32
        %dma_start3A_51 = tpu.memref_slice %arg7[%dma_start3A_49, %dma_start3A_50] : memref<10016x128xf32, #tpu.memory_space<vmem_shared>> -> memref<24x128xf32, #tpu.memory_space<vmem_shared>>
        %dma_start3A_52 = arith.constant 9992 : i32
        %dma_start3A_53 = arith.constant 0 : i32
        %dma_start3A_54 = tpu.memref_slice %arg7[%dma_start3A_52, %dma_start3A_53] : memref<10016x128xf32, #tpu.memory_space<vmem_shared>> -> memref<24x128xf32, #tpu.memory_space<vmem_shared>>
        %dma_start3A_55 = arith.constant 0 : i32
        %dma_start3A_56 = arith.constant 0 : i32
        %dma_start3A_57 = tpu.memref_slice %arg6[%dma_start3A_55, %dma_start3A_56] : memref<128x128xf32, #tpu.memory_space<vmem>> -> memref<24x128xf32, #tpu.memory_space<vmem>>
        tpu.enqueue_dma source(%dma_start3A_57 : memref<24x128xf32, #tpu.memory_space<vmem>>) target(%dma_start3A_54 : memref<24x128xf32, #tpu.memory_space<vmem_shared>>) target_semaphore(%run_scoped3A : memref<!tpu.dma_semaphore, #tpu.memory_space<semaphore_mem>>)
        %dma_wait3A = arith.constant 0 : i32
        %dma_wait3A_58 = arith.constant 0 : i32
        %dma_wait3A_59 = tpu.memref_slice %arg6[%dma_wait3A, %dma_wait3A_58] : memref<128x128xf32, #tpu.memory_space<vmem>> -> memref<24x128xf32, #tpu.memory_space<vmem>>
        %dma_wait3A_60 = arith.constant 9992 : i32
        %dma_wait3A_61 = arith.constant 0 : i32
        %dma_wait3A_62 = tpu.memref_slice %arg7[%dma_wait3A_60, %dma_wait3A_61] : memref<10016x128xf32, #tpu.memory_space<vmem_shared>> -> memref<24x128xf32, #tpu.memory_space<vmem_shared>>
        %dma_wait3A_63 = arith.constant 9992 : i32
        %dma_wait3A_64 = arith.constant 0 : i32
        %dma_wait3A_65 = tpu.memref_slice %arg7[%dma_wait3A_63, %dma_wait3A_64] : memref<10016x128xf32, #tpu.memory_space<vmem_shared>> -> memref<24x128xf32, #tpu.memory_space<vmem_shared>>
        %dma_wait3A_66 = arith.constant 0 : i32
        %dma_wait3A_67 = arith.constant 0 : i32
        %dma_wait3A_68 = tpu.memref_slice %arg6[%dma_wait3A_66, %dma_wait3A_67] : memref<128x128xf32, #tpu.memory_space<vmem>> -> memref<24x128xf32, #tpu.memory_space<vmem>>
        tpu.wait_dma2 semaphore(%run_scoped3A : memref<!tpu.dma_semaphore, #tpu.memory_space<semaphore_mem>>) src(%dma_wait3A_68 : memref<24x128xf32, #tpu.memory_space<vmem>>) dst(%dma_wait3A_65 : memref<24x128xf32, #tpu.memory_space<vmem_shared>>)
        tpu.yield
      }) : () -> ()
    } else {
    }
    %scan3A_22 = arith.constant 0 : i32
    %scan3A_23 = arith.constant 0 : i32
    %scan3A_24 = arith.constant 128 : i32
    %scan3A_25 = arith.addi %scan3A_23, %scan3A_24 : i32
    %scan3A_26 = arith.constant 1 : i32
    %scan3A_27 = scf.for %scan3A_47 = %scan3A_23 to %scan3A_25 step %scan3A_26 iter_args(%scan3A_48 = %scan3A_22) -> (i32)  : i32 {
      %broadcast_in_dim3A = arith.constant 1.000000e+00 : f32
      %broadcast_in_dim3A_49 = vector.broadcast %broadcast_in_dim3A : f32 to vector<16xf32>
      %swap3A = arith.index_cast %scan3A_47 : i32 to index
      %swap3A_50 = arith.constant 0 : index
      %swap3A_51 = tpu.vector_load %arg6[%swap3A, %swap3A_50] {strides = array<i32>} : memref<128x128xf32, #tpu.memory_space<vmem>>, vector<1x16xf32>,
      %swap3A_52 = vector.shape_cast %swap3A_51 : vector<1x16xf32> to vector<16xf32>
      %swap3A_53 = vector.shape_cast %broadcast_in_dim3A_49 : vector<16xf32> to vector<1x16xf32>
      tpu.vector_store %arg6[%swap3A, %swap3A_50], %swap3A_53 {strides = array<i32>} : memref<128x128xf32, #tpu.memory_space<vmem>>, vector<1x16xf32>,
      %broadcast_in_dim3A_54 = arith.constant 1.000000e+00 : f32
      %broadcast_in_dim3A_55 = vector.broadcast %broadcast_in_dim3A_54 : f32 to vector<16xf32>
      %swap3A_56 = arith.index_cast %scan3A_47 : i32 to index
      %swap3A_57 = arith.constant 16 : index
      %swap3A_58 = tpu.vector_load %arg6[%swap3A_56, %swap3A_57] {strides = array<i32>} : memref<128x128xf32, #tpu.memory_space<vmem>>, vector<1x16xf32>,
      %swap3A_59 = vector.shape_cast %swap3A_58 : vector<1x16xf32> to vector<16xf32>
      %swap3A_60 = vector.shape_cast %broadcast_in_dim3A_55 : vector<16xf32> to vector<1x16xf32>
      tpu.vector_store %arg6[%swap3A_56, %swap3A_57], %swap3A_60 {strides = array<i32>} : memref<128x128xf32, #tpu.memory_space<vmem>>, vector<1x16xf32>,
      %broadcast_in_dim3A_61 = arith.constant 1.000000e+00 : f32
      %broadcast_in_dim3A_62 = vector.broadcast %broadcast_in_dim3A_61 : f32 to vector<16xf32>
      %swap3A_63 = arith.index_cast %scan3A_47 : i32 to index
      %swap3A_64 = arith.constant 32 : index
      %swap3A_65 = tpu.vector_load %arg6[%swap3A_63, %swap3A_64] {strides = array<i32>} : memref<128x128xf32, #tpu.memory_space<vmem>>, vector<1x16xf32>,
      %swap3A_66 = vector.shape_cast %swap3A_65 : vector<1x16xf32> to vector<16xf32>
      %swap3A_67 = vector.shape_cast %broadcast_in_dim3A_62 : vector<16xf32> to vector<1x16xf32>
      tpu.vector_store %arg6[%swap3A_63, %swap3A_64], %swap3A_67 {strides = array<i32>} : memref<128x128xf32, #tpu.memory_space<vmem>>, vector<1x16xf32>,
      %broadcast_in_dim3A_68 = arith.constant 1.000000e+00 : f32
      %broadcast_in_dim3A_69 = vector.broadcast %broadcast_in_dim3A_68 : f32 to vector<16xf32>
      %swap3A_70 = arith.index_cast %scan3A_47 : i32 to index
      %swap3A_71 = arith.constant 48 : index
      %swap3A_72 = tpu.vector_load %arg6[%swap3A_70, %swap3A_71] {strides = array<i32>} : memref<128x128xf32, #tpu.memory_space<vmem>>, vector<1x16xf32>,
      %swap3A_73 = vector.shape_cast %swap3A_72 : vector<1x16xf32> to vector<16xf32>
      %swap3A_74 = vector.shape_cast %broadcast_in_dim3A_69 : vector<16xf32> to vector<1x16xf32>
      tpu.vector_store %arg6[%swap3A_70, %swap3A_71], %swap3A_74 {strides = array<i32>} : memref<128x128xf32, #tpu.memory_space<vmem>>, vector<1x16xf32>,
      %broadcast_in_dim3A_75 = arith.constant 1.000000e+00 : f32
      %broadcast_in_dim3A_76 = vector.broadcast %broadcast_in_dim3A_75 : f32 to vector<16xf32>
      %swap3A_77 = arith.index_cast %scan3A_47 : i32 to index
      %swap3A_78 = arith.constant 64 : index
      %swap3A_79 = tpu.vector_load %arg6[%swap3A_77, %swap3A_78] {strides = array<i32>} : memref<128x128xf32, #tpu.memory_space<vmem>>, vector<1x16xf32>,
      %swap3A_80 = vector.shape_cast %swap3A_79 : vector<1x16xf32> to vector<16xf32>
      %swap3A_81 = vector.shape_cast %broadcast_in_dim3A_76 : vector<16xf32> to vector<1x16xf32>
      tpu.vector_store %arg6[%swap3A_77, %swap3A_78], %swap3A_81 {strides = array<i32>} : memref<128x128xf32, #tpu.memory_space<vmem>>, vector<1x16xf32>,
      %broadcast_in_dim3A_82 = arith.constant 1.000000e+00 : f32
      %broadcast_in_dim3A_83 = vector.broadcast %broadcast_in_dim3A_82 : f32 to vector<16xf32>
      %swap3A_84 = arith.index_cast %scan3A_47 : i32 to index
      %swap3A_85 = arith.constant 80 : index
      %swap3A_86 = tpu.vector_load %arg6[%swap3A_84, %swap3A_85] {strides = array<i32>} : memref<128x128xf32, #tpu.memory_space<vmem>>, vector<1x16xf32>,
      %swap3A_87 = vector.shape_cast %swap3A_86 : vector<1x16xf32> to vector<16xf32>
      %swap3A_88 = vector.shape_cast %broadcast_in_dim3A_83 : vector<16xf32> to vector<1x16xf32>
      tpu.vector_store %arg6[%swap3A_84, %swap3A_85], %swap3A_88 {strides = array<i32>} : memref<128x128xf32, #tpu.memory_space<vmem>>, vector<1x16xf32>,
      %broadcast_in_dim3A_89 = arith.constant 1.000000e+00 : f32
      %broadcast_in_dim3A_90 = vector.broadcast %broadcast_in_dim3A_89 : f32 to vector<16xf32>
      %swap3A_91 = arith.index_cast %scan3A_47 : i32 to index
      %swap3A_92 = arith.constant 96 : index
      %swap3A_93 = tpu.vector_load %arg6[%swap3A_91, %swap3A_92] {strides = array<i32>} : memref<128x128xf32, #tpu.memory_space<vmem>>, vector<1x16xf32>,
      %swap3A_94 = vector.shape_cast %swap3A_93 : vector<1x16xf32> to vector<16xf32>
      %swap3A_95 = vector.shape_cast %broadcast_in_dim3A_90 : vector<16xf32> to vector<1x16xf32>
      tpu.vector_store %arg6[%swap3A_91, %swap3A_92], %swap3A_95 {strides = array<i32>} : memref<128x128xf32, #tpu.memory_space<vmem>>, vector<1x16xf32>,
      %broadcast_in_dim3A_96 = arith.constant 1.000000e+00 : f32
      %broadcast_in_dim3A_97 = vector.broadcast %broadcast_in_dim3A_96 : f32 to vector<16xf32>
      %swap3A_98 = arith.index_cast %scan3A_47 : i32 to index
      %swap3A_99 = arith.constant 112 : index
      %swap3A_100 = tpu.vector_load %arg6[%swap3A_98, %swap3A_99] {strides = array<i32>} : memref<128x128xf32, #tpu.memory_space<vmem>>, vector<1x16xf32>,
      %swap3A_101 = vector.shape_cast %swap3A_100 : vector<1x16xf32> to vector<16xf32>
      %swap3A_102 = vector.shape_cast %broadcast_in_dim3A_97 : vector<16xf32> to vector<1x16xf32>
      tpu.vector_store %arg6[%swap3A_98, %swap3A_99], %swap3A_102 {strides = array<i32>} : memref<128x128xf32, #tpu.memory_space<vmem>>, vector<1x16xf32>,
      %scan3A_103 = arith.constant 0 : i32
      scf.yield %scan3A_103 : i32
    }
    %scan3A_28 = arith.constant 128 : i32
    %barrier3A = arith.constant 0 : index
    tpu.barrier barrier_id(%barrier3A)
    %scan3A_29 = arith.constant 0 : i32
    %scan3A_30 = arith.constant 0 : i32
    %scan3A_31 = arith.constant 80 : i32
    %scan3A_32 = arith.addi %scan3A_30, %scan3A_31 : i32
    %scan3A_33 = arith.constant 1 : i32
    %scan3A_34 = scf.for %scan3A_47 = %scan3A_30 to %scan3A_32 step %scan3A_33 iter_args(%scan3A_48 = %scan3A_29) -> (i32)  : i32 {
      "tpu.region"() ({
        %run_scoped3A = tpu.sem_alloc : memref<!tpu.dma_semaphore, #tpu.memory_space<semaphore_mem>>
        %dma_start3A = arith.constant 0 : i32
        %dma_start3A_50 = tpu.memref_slice %arg5[%scan3A_47, %dma_start3A] : memref<80x128xi32, #tpu.memory_space<vmem>> -> memref<1x128xi32, #tpu.memory_space<vmem>>
        %dma_start3A_51 = tpu.memref_squeeze %dma_start3A_50 : memref<1x128xi32, #tpu.memory_space<vmem>> -> memref<128xi32, #tpu.memory_space<vmem>>
        %dma_start3A_52 = arith.constant 0 : i32
        %dma_start3A_53 = arith.constant 0 : i32
        %dma_start3A_54 = tpu.memref_slice %arg7[%dma_start3A_52, %dma_start3A_53] : memref<10016x128xf32, #tpu.memory_space<vmem_shared>> -> memref<10016x128xf32, #tpu.memory_space<vmem_shared>>
        tpu.enqueue_indirect_dma source(%arg6 : memref<128x128xf32, #tpu.memory_space<vmem>>) target(%dma_start3A_54 : memref<10016x128xf32, #tpu.memory_space<vmem_shared>>) offsets(%dma_start3A_51 : memref<128xi32, #tpu.memory_space<vmem>>) semaphore(%run_scoped3A : memref<!tpu.dma_semaphore, #tpu.memory_space<semaphore_mem>>) {add = true}
        %dma_wait3A = arith.constant 0 : i32
        %dma_wait3A_55 = tpu.memref_slice %arg5[%scan3A_47, %dma_wait3A] : memref<80x128xi32, #tpu.memory_space<vmem>> -> memref<1x128xi32, #tpu.memory_space<vmem>>
        %dma_wait3A_56 = tpu.memref_squeeze %dma_wait3A_55 : memref<1x128xi32, #tpu.memory_space<vmem>> -> memref<128xi32, #tpu.memory_space<vmem>>
        %dma_wait3A_57 = arith.constant 0 : i32
        %dma_wait3A_58 = arith.constant 0 : i32
        %dma_wait3A_59 = tpu.memref_slice %arg7[%dma_wait3A_57, %dma_wait3A_58] : memref<10016x128xf32, #tpu.memory_space<vmem_shared>> -> memref<10016x128xf32, #tpu.memory_space<vmem_shared>>
        tpu.wait_indirect_dma semaphore(%run_scoped3A : memref<!tpu.dma_semaphore, #tpu.memory_space<semaphore_mem>>) src(%arg6 : memref<128x128xf32, #tpu.memory_space<vmem>>) dst(%dma_wait3A_59 : memref<10016x128xf32, #tpu.memory_space<vmem_shared>>)
        tpu.yield
      }) : () -> ()
      %scan3A_49 = arith.constant 0 : i32
      scf.yield %scan3A_49 : i32
    }
    %scan3A_35 = arith.constant 80 : i32
    %barrier3A_36 = arith.constant 0 : index
    tpu.barrier barrier_id(%barrier3A_36)
    %lt3A_37 = arith.constant 15 : i32
    %lt3A_38 = arith.cmpi slt, %arg1, %lt3A_37 : i32
    %convert_element_type3A_39 = arith.extui %lt3A_38 : i1 to i32
    %cond3A_40 = arith.constant 0 : i32
    %cond3A_41 = arith.cmpi ne, %convert_element_type3A_39, %cond3A_40 : i32
    scf.if %cond3A_41 {
      %mul3A_47 = arith.constant 632 : i32
      %mul3A_48 = arith.muli %arg1, %mul3A_47 : i32
      %multiple_of3A_49 = tpu.assume_multiple %mul3A_48, 8 : i32
      "tpu.region"() ({
        %run_scoped3A = tpu.sem_alloc : memref<!tpu.dma_semaphore, #tpu.memory_space<semaphore_mem>>
        %dma_start3A = arith.constant 0 : i32
        %dma_start3A_50 = tpu.memref_slice %arg3[%arg0, %multiple_of3A_49, %dma_start3A] : memref<2x10000x128xf32, #tpu.memory_space<hbm>> -> memref<1x632x128xf32, #tpu.memory_space<hbm>>
        %dma_start3A_51 = tpu.memref_squeeze %dma_start3A_50 : memref<1x632x128xf32, #tpu.memory_space<hbm>> -> memref<632x128xf32, #tpu.memory_space<hbm>>
        %dma_start3A_52 = arith.constant 0 : i32
        %dma_start3A_53 = tpu.memref_slice %arg7[%multiple_of3A_49, %dma_start3A_52] : memref<10016x128xf32, #tpu.memory_space<vmem_shared>> -> memref<632x128xf32, #tpu.memory_space<vmem_shared>>
        tpu.enqueue_dma source(%dma_start3A_53 : memref<632x128xf32, #tpu.memory_space<vmem_shared>>) target(%dma_start3A_51 : memref<632x128xf32, #tpu.memory_space<hbm>>) target_semaphore(%run_scoped3A : memref<!tpu.dma_semaphore, #tpu.memory_space<semaphore_mem>>)
        %dma_wait3A = arith.constant 0 : i32
        %dma_wait3A_54 = tpu.memref_slice %arg3[%arg0, %multiple_of3A_49, %dma_wait3A] : memref<2x10000x128xf32, #tpu.memory_space<hbm>> -> memref<1x632x128xf32, #tpu.memory_space<hbm>>
        %dma_wait3A_55 = tpu.memref_squeeze %dma_wait3A_54 : memref<1x632x128xf32, #tpu.memory_space<hbm>> -> memref<632x128xf32, #tpu.memory_space<hbm>>
        %dma_wait3A_56 = arith.constant 0 : i32
        %dma_wait3A_57 = tpu.memref_slice %arg7[%multiple_of3A_49, %dma_wait3A_56] : memref<10016x128xf32, #tpu.memory_space<vmem_shared>> -> memref<632x128xf32, #tpu.memory_space<vmem_shared>>
        tpu.wait_dma2 semaphore(%run_scoped3A : memref<!tpu.dma_semaphore, #tpu.memory_space<semaphore_mem>>) src(%dma_wait3A_57 : memref<632x128xf32, #tpu.memory_space<vmem_shared>>) dst(%dma_wait3A_55 : memref<632x128xf32, #tpu.memory_space<hbm>>)
        tpu.yield
      }) : () -> ()
    } else {
    }
    %eq3A_42 = arith.constant 15 : i32
    %eq3A_43 = arith.cmpi eq, %arg1, %eq3A_42 : i32
    %convert_element_type3A_44 = arith.extui %eq3A_43 : i1 to i32
    %cond3A_45 = arith.constant 0 : i32
    %cond3A_46 = arith.cmpi ne, %convert_element_type3A_44, %cond3A_45 : i32
    scf.if %cond3A_46 {
      "tpu.region"() ({
        %run_scoped3A = tpu.sem_alloc : memref<!tpu.dma_semaphore, #tpu.memory_space<semaphore_mem>>
        %dma_start3A = arith.constant 9480 : i32
        %dma_start3A_47 = arith.constant 0 : i32
        %dma_start3A_48 = tpu.memref_slice %arg3[%arg0, %dma_start3A, %dma_start3A_47] : memref<2x10000x128xf32, #tpu.memory_space<hbm>> -> memref<1x520x128xf32, #tpu.memory_space<hbm>>
        %dma_start3A_49 = tpu.memref_squeeze %dma_start3A_48 : memref<1x520x128xf32, #tpu.memory_space<hbm>> -> memref<520x128xf32, #tpu.memory_space<hbm>>
        %dma_start3A_50 = arith.constant 9480 : i32
        %dma_start3A_51 = arith.constant 0 : i32
        %dma_start3A_52 = tpu.memref_slice %arg7[%dma_start3A_50, %dma_start3A_51] : memref<10016x128xf32, #tpu.memory_space<vmem_shared>> -> memref<520x128xf32, #tpu.memory_space<vmem_shared>>
        tpu.enqueue_dma source(%dma_start3A_52 : memref<520x128xf32, #tpu.memory_space<vmem_shared>>) target(%dma_start3A_49 : memref<520x128xf32, #tpu.memory_space<hbm>>) target_semaphore(%run_scoped3A : memref<!tpu.dma_semaphore, #tpu.memory_space<semaphore_mem>>)
        %dma_wait3A = arith.constant 9480 : i32
        %dma_wait3A_53 = arith.constant 0 : i32
        %dma_wait3A_54 = tpu.memref_slice %arg3[%arg0, %dma_wait3A, %dma_wait3A_53] : memref<2x10000x128xf32, #tpu.memory_space<hbm>> -> memref<1x520x128xf32, #tpu.memory_space<hbm>>
        %dma_wait3A_55 = tpu.memref_squeeze %dma_wait3A_54 : memref<1x520x128xf32, #tpu.memory_space<hbm>> -> memref<520x128xf32, #tpu.memory_space<hbm>>
        %dma_wait3A_56 = arith.constant 9480 : i32
        %dma_wait3A_57 = arith.constant 0 : i32
        %dma_wait3A_58 = tpu.memref_slice %arg7[%dma_wait3A_56, %dma_wait3A_57] : memref<10016x128xf32, #tpu.memory_space<vmem_shared>> -> memref<520x128xf32, #tpu.memory_space<vmem_shared>>
        tpu.wait_dma2 semaphore(%run_scoped3A : memref<!tpu.dma_semaphore, #tpu.memory_space<semaphore_mem>>) src(%dma_wait3A_58 : memref<520x128xf32, #tpu.memory_space<vmem_shared>>) dst(%dma_wait3A_55 : memref<520x128xf32, #tpu.memory_space<hbm>>)
        tpu.yield
      }) : () -> ()
    } else {
    }
    return
  }
}

#map = affine_map<(d0, d1) -> (0)>
#map1 = affine_map<(d0, d1) -> (0, 0)>
#map2 = affine_map<(d0, d1) -> (0, 0, 0)>
module attributes {stable_mosaic.version = 14 : i64} {
  func.func @_scatter_kernel(%arg0: i32, %arg1: i32, %arg2: memref<327680xi32, #tpu.memory_space<hbm>>, %arg3: memref<327680xi32, #tpu.memory_space<hbm>>, %arg4: memref<10000x128xf32, #tpu.memory_space<hbm>>, %arg5: memref<2x10000x128xf32, #tpu.memory_space<hbm>>, %arg6: memref<128xi32, #tpu.memory_space<vmem>>, %arg7: memref<128xi32, #tpu.memory_space<vmem>>, %arg8: memref<128xi32, #tpu.memory_space<vmem>>, %arg9: memref<128xi32, #tpu.memory_space<vmem>>, %arg10: memref<128x128xf32, #tpu.memory_space<vmem>>, %arg11: memref<128x128xf32, #tpu.memory_space<vmem>>, %arg12: memref<10016x128xf32, #tpu.memory_space<vmem_shared>>, %arg13: memref<!tpu.dma_semaphore, #tpu.memory_space<semaphore_mem>>, %arg14: memref<!tpu.dma_semaphore, #tpu.memory_space<semaphore_mem>>, %arg15: memref<!tpu.dma_semaphore, #tpu.memory_space<semaphore_mem>>, %arg16: memref<!tpu.dma_semaphore, #tpu.memory_space<semaphore_mem>>) attributes {dimension_semantics = [#tpu.dimension_semantics<core_parallel>, #tpu.dimension_semantics<subcore_parallel>], iteration_bounds = array<i64: 2, 16>, scalar_prefetch = 0 : i64, scratch_operands = 11 : i64, tpu.core_type = #tpu.core_type<sc_vector_subcore>, window_params = [{transform_indices = #map}, {transform_indices = #map}, {transform_indices = #map1}, {transform_indices = #map2}]} {
    %mul3A = arith.constant 2 : i32
    %mul3A_0 = arith.muli %arg1, %mul3A : i32
    %mul3A_1 = arith.constant 80 : i32
    %mul3A_2 = arith.muli %mul3A_0, %mul3A_1 : i32
    %mul3A_3 = arith.constant 80 : i32
    %mul3A_4 = arith.muli %arg0, %mul3A_3 : i32
    %add3A = arith.addi %mul3A_2, %mul3A_4 : i32
    %mul3A_5 = arith.constant 128 : i32
    %mul3A_6 = arith.muli %add3A, %mul3A_5 : i32
    %eq3A = arith.constant 0 : i32
    %eq3A_7 = arith.cmpi eq, %arg0, %eq3A : i32
    %jit3A = arith.constant 80 : i32
    %jit3A_8 = arith.constant 80 : i32
    %select_n3A = arith.select %eq3A_7, %jit3A, %jit3A_8 : i32
    %scan3A = arith.constant 0 : i32
    %scan3A_9 = arith.constant 0 : i32
    %scan3A_10 = arith.constant 128 : i32
    %scan3A_11 = arith.addi %scan3A_9, %scan3A_10 : i32
    %scan3A_12 = arith.constant 1 : i32
    %scan3A_13 = scf.for %scan3A_83 = %scan3A_9 to %scan3A_11 step %scan3A_12 iter_args(%scan3A_84 = %scan3A) -> (i32)  : i32 {
      %broadcast_in_dim3A = arith.constant 0.000000e+00 : f32
      %broadcast_in_dim3A_85 = vector.broadcast %broadcast_in_dim3A : f32 to vector<16xf32>
      %swap3A = arith.index_cast %scan3A_83 : i32 to index
      %swap3A_86 = arith.constant 0 : index
      %swap3A_87 = tpu.vector_load %arg10[%swap3A, %swap3A_86] {strides = array<i32>} : memref<128x128xf32, #tpu.memory_space<vmem>>, vector<1x16xf32>,
      %swap3A_88 = vector.shape_cast %swap3A_87 : vector<1x16xf32> to vector<16xf32>
      %swap3A_89 = vector.shape_cast %broadcast_in_dim3A_85 : vector<16xf32> to vector<1x16xf32>
      tpu.vector_store %arg10[%swap3A, %swap3A_86], %swap3A_89 {strides = array<i32>} : memref<128x128xf32, #tpu.memory_space<vmem>>, vector<1x16xf32>,
      %broadcast_in_dim3A_90 = arith.constant 0.000000e+00 : f32
      %broadcast_in_dim3A_91 = vector.broadcast %broadcast_in_dim3A_90 : f32 to vector<16xf32>
      %swap3A_92 = arith.index_cast %scan3A_83 : i32 to index
      %swap3A_93 = arith.constant 16 : index
      %swap3A_94 = tpu.vector_load %arg10[%swap3A_92, %swap3A_93] {strides = array<i32>} : memref<128x128xf32, #tpu.memory_space<vmem>>, vector<1x16xf32>,
      %swap3A_95 = vector.shape_cast %swap3A_94 : vector<1x16xf32> to vector<16xf32>
      %swap3A_96 = vector.shape_cast %broadcast_in_dim3A_91 : vector<16xf32> to vector<1x16xf32>
      tpu.vector_store %arg10[%swap3A_92, %swap3A_93], %swap3A_96 {strides = array<i32>} : memref<128x128xf32, #tpu.memory_space<vmem>>, vector<1x16xf32>,
      %broadcast_in_dim3A_97 = arith.constant 0.000000e+00 : f32
      %broadcast_in_dim3A_98 = vector.broadcast %broadcast_in_dim3A_97 : f32 to vector<16xf32>
      %swap3A_99 = arith.index_cast %scan3A_83 : i32 to index
      %swap3A_100 = arith.constant 32 : index
      %swap3A_101 = tpu.vector_load %arg10[%swap3A_99, %swap3A_100] {strides = array<i32>} : memref<128x128xf32, #tpu.memory_space<vmem>>, vector<1x16xf32>,
      %swap3A_102 = vector.shape_cast %swap3A_101 : vector<1x16xf32> to vector<16xf32>
      %swap3A_103 = vector.shape_cast %broadcast_in_dim3A_98 : vector<16xf32> to vector<1x16xf32>
      tpu.vector_store %arg10[%swap3A_99, %swap3A_100], %swap3A_103 {strides = array<i32>} : memref<128x128xf32, #tpu.memory_space<vmem>>, vector<1x16xf32>,
      %broadcast_in_dim3A_104 = arith.constant 0.000000e+00 : f32
      %broadcast_in_dim3A_105 = vector.broadcast %broadcast_in_dim3A_104 : f32 to vector<16xf32>
      %swap3A_106 = arith.index_cast %scan3A_83 : i32 to index
      %swap3A_107 = arith.constant 48 : index
      %swap3A_108 = tpu.vector_load %arg10[%swap3A_106, %swap3A_107] {strides = array<i32>} : memref<128x128xf32, #tpu.memory_space<vmem>>, vector<1x16xf32>,
      %swap3A_109 = vector.shape_cast %swap3A_108 : vector<1x16xf32> to vector<16xf32>
      %swap3A_110 = vector.shape_cast %broadcast_in_dim3A_105 : vector<16xf32> to vector<1x16xf32>
      tpu.vector_store %arg10[%swap3A_106, %swap3A_107], %swap3A_110 {strides = array<i32>} : memref<128x128xf32, #tpu.memory_space<vmem>>, vector<1x16xf32>,
      %broadcast_in_dim3A_111 = arith.constant 0.000000e+00 : f32
      %broadcast_in_dim3A_112 = vector.broadcast %broadcast_in_dim3A_111 : f32 to vector<16xf32>
      %swap3A_113 = arith.index_cast %scan3A_83 : i32 to index
      %swap3A_114 = arith.constant 64 : index
      %swap3A_115 = tpu.vector_load %arg10[%swap3A_113, %swap3A_114] {strides = array<i32>} : memref<128x128xf32, #tpu.memory_space<vmem>>, vector<1x16xf32>,
      %swap3A_116 = vector.shape_cast %swap3A_115 : vector<1x16xf32> to vector<16xf32>
      %swap3A_117 = vector.shape_cast %broadcast_in_dim3A_112 : vector<16xf32> to vector<1x16xf32>
      tpu.vector_store %arg10[%swap3A_113, %swap3A_114], %swap3A_117 {strides = array<i32>} : memref<128x128xf32, #tpu.memory_space<vmem>>, vector<1x16xf32>,
      %broadcast_in_dim3A_118 = arith.constant 0.000000e+00 : f32
      %broadcast_in_dim3A_119 = vector.broadcast %broadcast_in_dim3A_118 : f32 to vector<16xf32>
      %swap3A_120 = arith.index_cast %scan3A_83 : i32 to index
      %swap3A_121 = arith.constant 80 : index
      %swap3A_122 = tpu.vector_load %arg10[%swap3A_120, %swap3A_121] {strides = array<i32>} : memref<128x128xf32, #tpu.memory_space<vmem>>, vector<1x16xf32>,
      %swap3A_123 = vector.shape_cast %swap3A_122 : vector<1x16xf32> to vector<16xf32>
      %swap3A_124 = vector.shape_cast %broadcast_in_dim3A_119 : vector<16xf32> to vector<1x16xf32>
      tpu.vector_store %arg10[%swap3A_120, %swap3A_121], %swap3A_124 {strides = array<i32>} : memref<128x128xf32, #tpu.memory_space<vmem>>, vector<1x16xf32>,
      %broadcast_in_dim3A_125 = arith.constant 0.000000e+00 : f32
      %broadcast_in_dim3A_126 = vector.broadcast %broadcast_in_dim3A_125 : f32 to vector<16xf32>
      %swap3A_127 = arith.index_cast %scan3A_83 : i32 to index
      %swap3A_128 = arith.constant 96 : index
      %swap3A_129 = tpu.vector_load %arg10[%swap3A_127, %swap3A_128] {strides = array<i32>} : memref<128x128xf32, #tpu.memory_space<vmem>>, vector<1x16xf32>,
      %swap3A_130 = vector.shape_cast %swap3A_129 : vector<1x16xf32> to vector<16xf32>
      %swap3A_131 = vector.shape_cast %broadcast_in_dim3A_126 : vector<16xf32> to vector<1x16xf32>
      tpu.vector_store %arg10[%swap3A_127, %swap3A_128], %swap3A_131 {strides = array<i32>} : memref<128x128xf32, #tpu.memory_space<vmem>>, vector<1x16xf32>,
      %broadcast_in_dim3A_132 = arith.constant 0.000000e+00 : f32
      %broadcast_in_dim3A_133 = vector.broadcast %broadcast_in_dim3A_132 : f32 to vector<16xf32>
      %swap3A_134 = arith.index_cast %scan3A_83 : i32 to index
      %swap3A_135 = arith.constant 112 : index
      %swap3A_136 = tpu.vector_load %arg10[%swap3A_134, %swap3A_135] {strides = array<i32>} : memref<128x128xf32, #tpu.memory_space<vmem>>, vector<1x16xf32>,
      %swap3A_137 = vector.shape_cast %swap3A_136 : vector<1x16xf32> to vector<16xf32>
      %swap3A_138 = vector.shape_cast %broadcast_in_dim3A_133 : vector<16xf32> to vector<1x16xf32>
      tpu.vector_store %arg10[%swap3A_134, %swap3A_135], %swap3A_138 {strides = array<i32>} : memref<128x128xf32, #tpu.memory_space<vmem>>, vector<1x16xf32>,
      %scan3A_139 = arith.constant 0 : i32
      scf.yield %scan3A_139 : i32
    }
    %scan3A_14 = arith.constant 128 : i32
    %lt3A = arith.constant 15 : i32
    %lt3A_15 = arith.cmpi slt, %arg1, %lt3A : i32
    %convert_element_type3A = arith.extui %lt3A_15 : i1 to i32
    %cond3A = arith.constant 0 : i32
    %cond3A_16 = arith.cmpi ne, %convert_element_type3A, %cond3A : i32
    scf.if %cond3A_16 {
      %mul3A_83 = arith.constant 632 : i32
      %mul3A_84 = arith.muli %arg1, %mul3A_83 : i32
      %multiple_of3A = tpu.assume_multiple %mul3A_84, 8 : i32
      %add3A_85 = arith.constant 0 : i32
      %add3A_86 = arith.addi %multiple_of3A, %add3A_85 : i32
      "tpu.region"() ({
        %run_scoped3A = tpu.sem_alloc : memref<!tpu.dma_semaphore, #tpu.memory_space<semaphore_mem>>
        %dma_start3A_95 = arith.constant 0 : i32
        %dma_start3A_96 = tpu.memref_slice %arg12[%add3A_86, %dma_start3A_95] : memref<10016x128xf32, #tpu.memory_space<vmem_shared>> -> memref<128x128xf32, #tpu.memory_space<vmem_shared>>
        %dma_start3A_97 = arith.constant 0 : i32
        %dma_start3A_98 = tpu.memref_slice %arg12[%add3A_86, %dma_start3A_97] : memref<10016x128xf32, #tpu.memory_space<vmem_shared>> -> memref<128x128xf32, #tpu.memory_space<vmem_shared>>
        tpu.enqueue_dma source(%arg10 : memref<128x128xf32, #tpu.memory_space<vmem>>) target(%dma_start3A_98 : memref<128x128xf32, #tpu.memory_space<vmem_shared>>) target_semaphore(%run_scoped3A : memref<!tpu.dma_semaphore, #tpu.memory_space<semaphore_mem>>)
        %dma_wait3A_99 = arith.constant 0 : i32
        %dma_wait3A_100 = tpu.memref_slice %arg12[%add3A_86, %dma_wait3A_99] : memref<10016x128xf32, #tpu.memory_space<vmem_shared>> -> memref<128x128xf32, #tpu.memory_space<vmem_shared>>
        %dma_wait3A_101 = arith.constant 0 : i32
        %dma_wait3A_102 = tpu.memref_slice %arg12[%add3A_86, %dma_wait3A_101] : memref<10016x128xf32, #tpu.memory_space<vmem_shared>> -> memref<128x128xf32, #tpu.memory_space<vmem_shared>>
        tpu.wait_dma2 semaphore(%run_scoped3A : memref<!tpu.dma_semaphore, #tpu.memory_space<semaphore_mem>>) src(%arg10 : memref<128x128xf32, #tpu.memory_space<vmem>>) dst(%dma_wait3A_102 : memref<128x128xf32, #tpu.memory_space<vmem_shared>>)
        tpu.yield
      }) : () -> ()
      %add3A_87 = arith.constant 128 : i32
      %add3A_88 = arith.addi %multiple_of3A, %add3A_87 : i32
      "tpu.region"() ({
        %run_scoped3A = tpu.sem_alloc : memref<!tpu.dma_semaphore, #tpu.memory_space<semaphore_mem>>
        %dma_start3A_95 = arith.constant 0 : i32
        %dma_start3A_96 = tpu.memref_slice %arg12[%add3A_88, %dma_start3A_95] : memref<10016x128xf32, #tpu.memory_space<vmem_shared>> -> memref<128x128xf32, #tpu.memory_space<vmem_shared>>
        %dma_start3A_97 = arith.constant 0 : i32
        %dma_start3A_98 = tpu.memref_slice %arg12[%add3A_88, %dma_start3A_97] : memref<10016x128xf32, #tpu.memory_space<vmem_shared>> -> memref<128x128xf32, #tpu.memory_space<vmem_shared>>
        tpu.enqueue_dma source(%arg10 : memref<128x128xf32, #tpu.memory_space<vmem>>) target(%dma_start3A_98 : memref<128x128xf32, #tpu.memory_space<vmem_shared>>) target_semaphore(%run_scoped3A : memref<!tpu.dma_semaphore, #tpu.memory_space<semaphore_mem>>)
        %dma_wait3A_99 = arith.constant 0 : i32
        %dma_wait3A_100 = tpu.memref_slice %arg12[%add3A_88, %dma_wait3A_99] : memref<10016x128xf32, #tpu.memory_space<vmem_shared>> -> memref<128x128xf32, #tpu.memory_space<vmem_shared>>
        %dma_wait3A_101 = arith.constant 0 : i32
        %dma_wait3A_102 = tpu.memref_slice %arg12[%add3A_88, %dma_wait3A_101] : memref<10016x128xf32, #tpu.memory_space<vmem_shared>> -> memref<128x128xf32, #tpu.memory_space<vmem_shared>>
        tpu.wait_dma2 semaphore(%run_scoped3A : memref<!tpu.dma_semaphore, #tpu.memory_space<semaphore_mem>>) src(%arg10 : memref<128x128xf32, #tpu.memory_space<vmem>>) dst(%dma_wait3A_102 : memref<128x128xf32, #tpu.memory_space<vmem_shared>>)
        tpu.yield
      }) : () -> ()
      %add3A_89 = arith.constant 256 : i32
      %add3A_90 = arith.addi %multiple_of3A, %add3A_89 : i32
      "tpu.region"() ({
        %run_scoped3A = tpu.sem_alloc : memref<!tpu.dma_semaphore, #tpu.memory_space<semaphore_mem>>
        %dma_start3A_95 = arith.constant 0 : i32
        %dma_start3A_96 = tpu.memref_slice %arg12[%add3A_90, %dma_start3A_95] : memref<10016x128xf32, #tpu.memory_space<vmem_shared>> -> memref<128x128xf32, #tpu.memory_space<vmem_shared>>
        %dma_start3A_97 = arith.constant 0 : i32
        %dma_start3A_98 = tpu.memref_slice %arg12[%add3A_90, %dma_start3A_97] : memref<10016x128xf32, #tpu.memory_space<vmem_shared>> -> memref<128x128xf32, #tpu.memory_space<vmem_shared>>
        tpu.enqueue_dma source(%arg10 : memref<128x128xf32, #tpu.memory_space<vmem>>) target(%dma_start3A_98 : memref<128x128xf32, #tpu.memory_space<vmem_shared>>) target_semaphore(%run_scoped3A : memref<!tpu.dma_semaphore, #tpu.memory_space<semaphore_mem>>)
        %dma_wait3A_99 = arith.constant 0 : i32
        %dma_wait3A_100 = tpu.memref_slice %arg12[%add3A_90, %dma_wait3A_99] : memref<10016x128xf32, #tpu.memory_space<vmem_shared>> -> memref<128x128xf32, #tpu.memory_space<vmem_shared>>
        %dma_wait3A_101 = arith.constant 0 : i32
        %dma_wait3A_102 = tpu.memref_slice %arg12[%add3A_90, %dma_wait3A_101] : memref<10016x128xf32, #tpu.memory_space<vmem_shared>> -> memref<128x128xf32, #tpu.memory_space<vmem_shared>>
        tpu.wait_dma2 semaphore(%run_scoped3A : memref<!tpu.dma_semaphore, #tpu.memory_space<semaphore_mem>>) src(%arg10 : memref<128x128xf32, #tpu.memory_space<vmem>>) dst(%dma_wait3A_102 : memref<128x128xf32, #tpu.memory_space<vmem_shared>>)
        tpu.yield
      }) : () -> ()
      %add3A_91 = arith.constant 384 : i32
      %add3A_92 = arith.addi %multiple_of3A, %add3A_91 : i32
      "tpu.region"() ({
        %run_scoped3A = tpu.sem_alloc : memref<!tpu.dma_semaphore, #tpu.memory_space<semaphore_mem>>
        %dma_start3A_95 = arith.constant 0 : i32
        %dma_start3A_96 = tpu.memref_slice %arg12[%add3A_92, %dma_start3A_95] : memref<10016x128xf32, #tpu.memory_space<vmem_shared>> -> memref<128x128xf32, #tpu.memory_space<vmem_shared>>
        %dma_start3A_97 = arith.constant 0 : i32
        %dma_start3A_98 = tpu.memref_slice %arg12[%add3A_92, %dma_start3A_97] : memref<10016x128xf32, #tpu.memory_space<vmem_shared>> -> memref<128x128xf32, #tpu.memory_space<vmem_shared>>
        tpu.enqueue_dma source(%arg10 : memref<128x128xf32, #tpu.memory_space<vmem>>) target(%dma_start3A_98 : memref<128x128xf32, #tpu.memory_space<vmem_shared>>) target_semaphore(%run_scoped3A : memref<!tpu.dma_semaphore, #tpu.memory_space<semaphore_mem>>)
        %dma_wait3A_99 = arith.constant 0 : i32
        %dma_wait3A_100 = tpu.memref_slice %arg12[%add3A_92, %dma_wait3A_99] : memref<10016x128xf32, #tpu.memory_space<vmem_shared>> -> memref<128x128xf32, #tpu.memory_space<vmem_shared>>
        %dma_wait3A_101 = arith.constant 0 : i32
        %dma_wait3A_102 = tpu.memref_slice %arg12[%add3A_92, %dma_wait3A_101] : memref<10016x128xf32, #tpu.memory_space<vmem_shared>> -> memref<128x128xf32, #tpu.memory_space<vmem_shared>>
        tpu.wait_dma2 semaphore(%run_scoped3A : memref<!tpu.dma_semaphore, #tpu.memory_space<semaphore_mem>>) src(%arg10 : memref<128x128xf32, #tpu.memory_space<vmem>>) dst(%dma_wait3A_102 : memref<128x128xf32, #tpu.memory_space<vmem_shared>>)
        tpu.yield
      }) : () -> ()
      %add3A_93 = arith.constant 512 : i32
      %add3A_94 = arith.addi %multiple_of3A, %add3A_93 : i32
      "tpu.region"() ({
        %run_scoped3A = tpu.sem_alloc : memref<!tpu.dma_semaphore, #tpu.memory_space<semaphore_mem>>
        %dma_start3A_95 = arith.constant 0 : i32
        %dma_start3A_96 = arith.constant 0 : i32
        %dma_start3A_97 = tpu.memref_slice %arg10[%dma_start3A_95, %dma_start3A_96] : memref<128x128xf32, #tpu.memory_space<vmem>> -> memref<120x128xf32, #tpu.memory_space<vmem>>
        %dma_start3A_98 = arith.constant 0 : i32
        %dma_start3A_99 = tpu.memref_slice %arg12[%add3A_94, %dma_start3A_98] : memref<10016x128xf32, #tpu.memory_space<vmem_shared>> -> memref<120x128xf32, #tpu.memory_space<vmem_shared>>
        %dma_start3A_100 = arith.constant 0 : i32
        %dma_start3A_101 = tpu.memref_slice %arg12[%add3A_94, %dma_start3A_100] : memref<10016x128xf32, #tpu.memory_space<vmem_shared>> -> memref<120x128xf32, #tpu.memory_space<vmem_shared>>
        %dma_start3A_102 = arith.constant 0 : i32
        %dma_start3A_103 = arith.constant 0 : i32
        %dma_start3A_104 = tpu.memref_slice %arg10[%dma_start3A_102, %dma_start3A_103] : memref<128x128xf32, #tpu.memory_space<vmem>> -> memref<120x128xf32, #tpu.memory_space<vmem>>
        tpu.enqueue_dma source(%dma_start3A_104 : memref<120x128xf32, #tpu.memory_space<vmem>>) target(%dma_start3A_101 : memref<120x128xf32, #tpu.memory_space<vmem_shared>>) target_semaphore(%run_scoped3A : memref<!tpu.dma_semaphore, #tpu.memory_space<semaphore_mem>>)
        %dma_wait3A_105 = arith.constant 0 : i32
        %dma_wait3A_106 = arith.constant 0 : i32
        %dma_wait3A_107 = tpu.memref_slice %arg10[%dma_wait3A_105, %dma_wait3A_106] : memref<128x128xf32, #tpu.memory_space<vmem>> -> memref<120x128xf32, #tpu.memory_space<vmem>>
        %dma_wait3A_108 = arith.constant 0 : i32
        %dma_wait3A_109 = tpu.memref_slice %arg12[%add3A_94, %dma_wait3A_108] : memref<10016x128xf32, #tpu.memory_space<vmem_shared>> -> memref<120x128xf32, #tpu.memory_space<vmem_shared>>
        %dma_wait3A_110 = arith.constant 0 : i32
        %dma_wait3A_111 = tpu.memref_slice %arg12[%add3A_94, %dma_wait3A_110] : memref<10016x128xf32, #tpu.memory_space<vmem_shared>> -> memref<120x128xf32, #tpu.memory_space<vmem_shared>>
        %dma_wait3A_112 = arith.constant 0 : i32
        %dma_wait3A_113 = arith.constant 0 : i32
        %dma_wait3A_114 = tpu.memref_slice %arg10[%dma_wait3A_112, %dma_wait3A_113] : memref<128x128xf32, #tpu.memory_space<vmem>> -> memref<120x128xf32, #tpu.memory_space<vmem>>
        tpu.wait_dma2 semaphore(%run_scoped3A : memref<!tpu.dma_semaphore, #tpu.memory_space<semaphore_mem>>) src(%dma_wait3A_114 : memref<120x128xf32, #tpu.memory_space<vmem>>) dst(%dma_wait3A_111 : memref<120x128xf32, #tpu.memory_space<vmem_shared>>)
        tpu.yield
      }) : () -> ()
    } else {
    }
    %eq3A_17 = arith.constant 15 : i32
    %eq3A_18 = arith.cmpi eq, %arg1, %eq3A_17 : i32
    %convert_element_type3A_19 = arith.extui %eq3A_18 : i1 to i32
    %cond3A_20 = arith.constant 0 : i32
    %cond3A_21 = arith.cmpi ne, %convert_element_type3A_19, %cond3A_20 : i32
    scf.if %cond3A_21 {
      "tpu.region"() ({
        %run_scoped3A = tpu.sem_alloc : memref<!tpu.dma_semaphore, #tpu.memory_space<semaphore_mem>>
        %dma_start3A_83 = arith.constant 9480 : i32
        %dma_start3A_84 = arith.constant 0 : i32
        %dma_start3A_85 = tpu.memref_slice %arg12[%dma_start3A_83, %dma_start3A_84] : memref<10016x128xf32, #tpu.memory_space<vmem_shared>> -> memref<128x128xf32, #tpu.memory_space<vmem_shared>>
        %dma_start3A_86 = arith.constant 9480 : i32
        %dma_start3A_87 = arith.constant 0 : i32
        %dma_start3A_88 = tpu.memref_slice %arg12[%dma_start3A_86, %dma_start3A_87] : memref<10016x128xf32, #tpu.memory_space<vmem_shared>> -> memref<128x128xf32, #tpu.memory_space<vmem_shared>>
        tpu.enqueue_dma source(%arg10 : memref<128x128xf32, #tpu.memory_space<vmem>>) target(%dma_start3A_88 : memref<128x128xf32, #tpu.memory_space<vmem_shared>>) target_semaphore(%run_scoped3A : memref<!tpu.dma_semaphore, #tpu.memory_space<semaphore_mem>>)
        %dma_wait3A_89 = arith.constant 9480 : i32
        %dma_wait3A_90 = arith.constant 0 : i32
        %dma_wait3A_91 = tpu.memref_slice %arg12[%dma_wait3A_89, %dma_wait3A_90] : memref<10016x128xf32, #tpu.memory_space<vmem_shared>> -> memref<128x128xf32, #tpu.memory_space<vmem_shared>>
        %dma_wait3A_92 = arith.constant 9480 : i32
        %dma_wait3A_93 = arith.constant 0 : i32
        %dma_wait3A_94 = tpu.memref_slice %arg12[%dma_wait3A_92, %dma_wait3A_93] : memref<10016x128xf32, #tpu.memory_space<vmem_shared>> -> memref<128x128xf32, #tpu.memory_space<vmem_shared>>
        tpu.wait_dma2 semaphore(%run_scoped3A : memref<!tpu.dma_semaphore, #tpu.memory_space<semaphore_mem>>) src(%arg10 : memref<128x128xf32, #tpu.memory_space<vmem>>) dst(%dma_wait3A_94 : memref<128x128xf32, #tpu.memory_space<vmem_shared>>)
        tpu.yield
      }) : () -> ()
      "tpu.region"() ({
        %run_scoped3A = tpu.sem_alloc : memref<!tpu.dma_semaphore, #tpu.memory_space<semaphore_mem>>
        %dma_start3A_83 = arith.constant 9608 : i32
        %dma_start3A_84 = arith.constant 0 : i32
        %dma_start3A_85 = tpu.memref_slice %arg12[%dma_start3A_83, %dma_start3A_84] : memref<10016x128xf32, #tpu.memory_space<vmem_shared>> -> memref<128x128xf32, #tpu.memory_space<vmem_shared>>
        %dma_start3A_86 = arith.constant 9608 : i32
        %dma_start3A_87 = arith.constant 0 : i32
        %dma_start3A_88 = tpu.memref_slice %arg12[%dma_start3A_86, %dma_start3A_87] : memref<10016x128xf32, #tpu.memory_space<vmem_shared>> -> memref<128x128xf32, #tpu.memory_space<vmem_shared>>
        tpu.enqueue_dma source(%arg10 : memref<128x128xf32, #tpu.memory_space<vmem>>) target(%dma_start3A_88 : memref<128x128xf32, #tpu.memory_space<vmem_shared>>) target_semaphore(%run_scoped3A : memref<!tpu.dma_semaphore, #tpu.memory_space<semaphore_mem>>)
        %dma_wait3A_89 = arith.constant 9608 : i32
        %dma_wait3A_90 = arith.constant 0 : i32
        %dma_wait3A_91 = tpu.memref_slice %arg12[%dma_wait3A_89, %dma_wait3A_90] : memref<10016x128xf32, #tpu.memory_space<vmem_shared>> -> memref<128x128xf32, #tpu.memory_space<vmem_shared>>
        %dma_wait3A_92 = arith.constant 9608 : i32
        %dma_wait3A_93 = arith.constant 0 : i32
        %dma_wait3A_94 = tpu.memref_slice %arg12[%dma_wait3A_92, %dma_wait3A_93] : memref<10016x128xf32, #tpu.memory_space<vmem_shared>> -> memref<128x128xf32, #tpu.memory_space<vmem_shared>>
        tpu.wait_dma2 semaphore(%run_scoped3A : memref<!tpu.dma_semaphore, #tpu.memory_space<semaphore_mem>>) src(%arg10 : memref<128x128xf32, #tpu.memory_space<vmem>>) dst(%dma_wait3A_94 : memref<128x128xf32, #tpu.memory_space<vmem_shared>>)
        tpu.yield
      }) : () -> ()
      "tpu.region"() ({
        %run_scoped3A = tpu.sem_alloc : memref<!tpu.dma_semaphore, #tpu.memory_space<semaphore_mem>>
        %dma_start3A_83 = arith.constant 9736 : i32
        %dma_start3A_84 = arith.constant 0 : i32
        %dma_start3A_85 = tpu.memref_slice %arg12[%dma_start3A_83, %dma_start3A_84] : memref<10016x128xf32, #tpu.memory_space<vmem_shared>> -> memref<128x128xf32, #tpu.memory_space<vmem_shared>>
        %dma_start3A_86 = arith.constant 9736 : i32
        %dma_start3A_87 = arith.constant 0 : i32
        %dma_start3A_88 = tpu.memref_slice %arg12[%dma_start3A_86, %dma_start3A_87] : memref<10016x128xf32, #tpu.memory_space<vmem_shared>> -> memref<128x128xf32, #tpu.memory_space<vmem_shared>>
        tpu.enqueue_dma source(%arg10 : memref<128x128xf32, #tpu.memory_space<vmem>>) target(%dma_start3A_88 : memref<128x128xf32, #tpu.memory_space<vmem_shared>>) target_semaphore(%run_scoped3A : memref<!tpu.dma_semaphore, #tpu.memory_space<semaphore_mem>>)
        %dma_wait3A_89 = arith.constant 9736 : i32
        %dma_wait3A_90 = arith.constant 0 : i32
        %dma_wait3A_91 = tpu.memref_slice %arg12[%dma_wait3A_89, %dma_wait3A_90] : memref<10016x128xf32, #tpu.memory_space<vmem_shared>> -> memref<128x128xf32, #tpu.memory_space<vmem_shared>>
        %dma_wait3A_92 = arith.constant 9736 : i32
        %dma_wait3A_93 = arith.constant 0 : i32
        %dma_wait3A_94 = tpu.memref_slice %arg12[%dma_wait3A_92, %dma_wait3A_93] : memref<10016x128xf32, #tpu.memory_space<vmem_shared>> -> memref<128x128xf32, #tpu.memory_space<vmem_shared>>
        tpu.wait_dma2 semaphore(%run_scoped3A : memref<!tpu.dma_semaphore, #tpu.memory_space<semaphore_mem>>) src(%arg10 : memref<128x128xf32, #tpu.memory_space<vmem>>) dst(%dma_wait3A_94 : memref<128x128xf32, #tpu.memory_space<vmem_shared>>)
        tpu.yield
      }) : () -> ()
      "tpu.region"() ({
        %run_scoped3A = tpu.sem_alloc : memref<!tpu.dma_semaphore, #tpu.memory_space<semaphore_mem>>
        %dma_start3A_83 = arith.constant 9864 : i32
        %dma_start3A_84 = arith.constant 0 : i32
        %dma_start3A_85 = tpu.memref_slice %arg12[%dma_start3A_83, %dma_start3A_84] : memref<10016x128xf32, #tpu.memory_space<vmem_shared>> -> memref<128x128xf32, #tpu.memory_space<vmem_shared>>
        %dma_start3A_86 = arith.constant 9864 : i32
        %dma_start3A_87 = arith.constant 0 : i32
        %dma_start3A_88 = tpu.memref_slice %arg12[%dma_start3A_86, %dma_start3A_87] : memref<10016x128xf32, #tpu.memory_space<vmem_shared>> -> memref<128x128xf32, #tpu.memory_space<vmem_shared>>
        tpu.enqueue_dma source(%arg10 : memref<128x128xf32, #tpu.memory_space<vmem>>) target(%dma_start3A_88 : memref<128x128xf32, #tpu.memory_space<vmem_shared>>) target_semaphore(%run_scoped3A : memref<!tpu.dma_semaphore, #tpu.memory_space<semaphore_mem>>)
        %dma_wait3A_89 = arith.constant 9864 : i32
        %dma_wait3A_90 = arith.constant 0 : i32
        %dma_wait3A_91 = tpu.memref_slice %arg12[%dma_wait3A_89, %dma_wait3A_90] : memref<10016x128xf32, #tpu.memory_space<vmem_shared>> -> memref<128x128xf32, #tpu.memory_space<vmem_shared>>
        %dma_wait3A_92 = arith.constant 9864 : i32
        %dma_wait3A_93 = arith.constant 0 : i32
        %dma_wait3A_94 = tpu.memref_slice %arg12[%dma_wait3A_92, %dma_wait3A_93] : memref<10016x128xf32, #tpu.memory_space<vmem_shared>> -> memref<128x128xf32, #tpu.memory_space<vmem_shared>>
        tpu.wait_dma2 semaphore(%run_scoped3A : memref<!tpu.dma_semaphore, #tpu.memory_space<semaphore_mem>>) src(%arg10 : memref<128x128xf32, #tpu.memory_space<vmem>>) dst(%dma_wait3A_94 : memref<128x128xf32, #tpu.memory_space<vmem_shared>>)
        tpu.yield
      }) : () -> ()
      "tpu.region"() ({
        %run_scoped3A = tpu.sem_alloc : memref<!tpu.dma_semaphore, #tpu.memory_space<semaphore_mem>>
        %dma_start3A_83 = arith.constant 0 : i32
        %dma_start3A_84 = arith.constant 0 : i32
        %dma_start3A_85 = tpu.memref_slice %arg10[%dma_start3A_83, %dma_start3A_84] : memref<128x128xf32, #tpu.memory_space<vmem>> -> memref<24x128xf32, #tpu.memory_space<vmem>>
        %dma_start3A_86 = arith.constant 9992 : i32
        %dma_start3A_87 = arith.constant 0 : i32
        %dma_start3A_88 = tpu.memref_slice %arg12[%dma_start3A_86, %dma_start3A_87] : memref<10016x128xf32, #tpu.memory_space<vmem_shared>> -> memref<24x128xf32, #tpu.memory_space<vmem_shared>>
        %dma_start3A_89 = arith.constant 9992 : i32
        %dma_start3A_90 = arith.constant 0 : i32
        %dma_start3A_91 = tpu.memref_slice %arg12[%dma_start3A_89, %dma_start3A_90] : memref<10016x128xf32, #tpu.memory_space<vmem_shared>> -> memref<24x128xf32, #tpu.memory_space<vmem_shared>>
        %dma_start3A_92 = arith.constant 0 : i32
        %dma_start3A_93 = arith.constant 0 : i32
        %dma_start3A_94 = tpu.memref_slice %arg10[%dma_start3A_92, %dma_start3A_93] : memref<128x128xf32, #tpu.memory_space<vmem>> -> memref<24x128xf32, #tpu.memory_space<vmem>>
        tpu.enqueue_dma source(%dma_start3A_94 : memref<24x128xf32, #tpu.memory_space<vmem>>) target(%dma_start3A_91 : memref<24x128xf32, #tpu.memory_space<vmem_shared>>) target_semaphore(%run_scoped3A : memref<!tpu.dma_semaphore, #tpu.memory_space<semaphore_mem>>)
        %dma_wait3A_95 = arith.constant 0 : i32
        %dma_wait3A_96 = arith.constant 0 : i32
        %dma_wait3A_97 = tpu.memref_slice %arg10[%dma_wait3A_95, %dma_wait3A_96] : memref<128x128xf32, #tpu.memory_space<vmem>> -> memref<24x128xf32, #tpu.memory_space<vmem>>
        %dma_wait3A_98 = arith.constant 9992 : i32
        %dma_wait3A_99 = arith.constant 0 : i32
        %dma_wait3A_100 = tpu.memref_slice %arg12[%dma_wait3A_98, %dma_wait3A_99] : memref<10016x128xf32, #tpu.memory_space<vmem_shared>> -> memref<24x128xf32, #tpu.memory_space<vmem_shared>>
        %dma_wait3A_101 = arith.constant 9992 : i32
        %dma_wait3A_102 = arith.constant 0 : i32
        %dma_wait3A_103 = tpu.memref_slice %arg12[%dma_wait3A_101, %dma_wait3A_102] : memref<10016x128xf32, #tpu.memory_space<vmem_shared>> -> memref<24x128xf32, #tpu.memory_space<vmem_shared>>
        %dma_wait3A_104 = arith.constant 0 : i32
        %dma_wait3A_105 = arith.constant 0 : i32
        %dma_wait3A_106 = tpu.memref_slice %arg10[%dma_wait3A_104, %dma_wait3A_105] : memref<128x128xf32, #tpu.memory_space<vmem>> -> memref<24x128xf32, #tpu.memory_space<vmem>>
        tpu.wait_dma2 semaphore(%run_scoped3A : memref<!tpu.dma_semaphore, #tpu.memory_space<semaphore_mem>>) src(%dma_wait3A_106 : memref<24x128xf32, #tpu.memory_space<vmem>>) dst(%dma_wait3A_103 : memref<24x128xf32, #tpu.memory_space<vmem_shared>>)
        tpu.yield
      }) : () -> ()
    } else {
    }
    %barrier3A = arith.constant 0 : index
    tpu.barrier barrier_id(%barrier3A)
    %add3A_22 = arith.constant 0 : i32
    %add3A_23 = arith.addi %mul3A_6, %add3A_22 : i32
    %dma_start3A = tpu.memref_slice %arg2[%add3A_23] : memref<327680xi32, #tpu.memory_space<hbm>> -> memref<128xi32, #tpu.memory_space<hbm>>
    %dma_start3A_24 = tpu.memref_slice %arg2[%add3A_23] : memref<327680xi32, #tpu.memory_space<hbm>> -> memref<128xi32, #tpu.memory_space<hbm>>
    tpu.enqueue_dma source(%dma_start3A_24 : memref<128xi32, #tpu.memory_space<hbm>>) target(%arg6 : memref<128xi32, #tpu.memory_space<vmem>>) target_semaphore(%arg13 : memref<!tpu.dma_semaphore, #tpu.memory_space<semaphore_mem>>)
    %dma_start3A_25 = tpu.memref_slice %arg3[%add3A_23] : memref<327680xi32, #tpu.memory_space<hbm>> -> memref<128xi32, #tpu.memory_space<hbm>>
    %dma_start3A_26 = tpu.memref_slice %arg3[%add3A_23] : memref<327680xi32, #tpu.memory_space<hbm>> -> memref<128xi32, #tpu.memory_space<hbm>>
    tpu.enqueue_dma source(%dma_start3A_26 : memref<128xi32, #tpu.memory_space<hbm>>) target(%arg7 : memref<128xi32, #tpu.memory_space<vmem>>) target_semaphore(%arg13 : memref<!tpu.dma_semaphore, #tpu.memory_space<semaphore_mem>>)
    %dma_wait3A = arith.constant 0 : i32
    %dma_wait3A_27 = tpu.memref_slice %arg2[%dma_wait3A] : memref<327680xi32, #tpu.memory_space<hbm>> -> memref<128xi32, #tpu.memory_space<hbm>>
    %dma_wait3A_28 = arith.constant 0 : i32
    %dma_wait3A_29 = tpu.memref_slice %arg2[%dma_wait3A_28] : memref<327680xi32, #tpu.memory_space<hbm>> -> memref<128xi32, #tpu.memory_space<hbm>>
    tpu.wait_dma2 semaphore(%arg13 : memref<!tpu.dma_semaphore, #tpu.memory_space<semaphore_mem>>) src(%dma_wait3A_29 : memref<128xi32, #tpu.memory_space<hbm>>) dst(%arg6 : memref<128xi32, #tpu.memory_space<vmem>>)
    %dma_wait3A_30 = arith.constant 0 : i32
    %dma_wait3A_31 = tpu.memref_slice %arg3[%dma_wait3A_30] : memref<327680xi32, #tpu.memory_space<hbm>> -> memref<128xi32, #tpu.memory_space<hbm>>
    %dma_wait3A_32 = arith.constant 0 : i32
    %dma_wait3A_33 = tpu.memref_slice %arg3[%dma_wait3A_32] : memref<327680xi32, #tpu.memory_space<hbm>> -> memref<128xi32, #tpu.memory_space<hbm>>
    tpu.wait_dma2 semaphore(%arg13 : memref<!tpu.dma_semaphore, #tpu.memory_space<semaphore_mem>>) src(%dma_wait3A_33 : memref<128xi32, #tpu.memory_space<hbm>>) dst(%arg7 : memref<128xi32, #tpu.memory_space<vmem>>)
    %dma_start3A_34 = arith.constant 0 : i32
    %dma_start3A_35 = arith.constant 0 : i32
    %dma_start3A_36 = tpu.memref_slice %arg4[%dma_start3A_34, %dma_start3A_35] : memref<10000x128xf32, #tpu.memory_space<hbm>> -> memref<10000x128xf32, #tpu.memory_space<hbm>>
    tpu.enqueue_indirect_dma source(%dma_start3A_36 : memref<10000x128xf32, #tpu.memory_space<hbm>>) target(%arg10 : memref<128x128xf32, #tpu.memory_space<vmem>>) offsets(%arg6 : memref<128xi32, #tpu.memory_space<vmem>>) semaphore(%arg15 : memref<!tpu.dma_semaphore, #tpu.memory_space<semaphore_mem>>)
    %add3A_37 = arith.constant 128 : i32
    %add3A_38 = arith.addi %mul3A_6, %add3A_37 : i32
    %dma_start3A_39 = tpu.memref_slice %arg2[%add3A_38] : memref<327680xi32, #tpu.memory_space<hbm>> -> memref<128xi32, #tpu.memory_space<hbm>>
    %dma_start3A_40 = tpu.memref_slice %arg2[%add3A_38] : memref<327680xi32, #tpu.memory_space<hbm>> -> memref<128xi32, #tpu.memory_space<hbm>>
    tpu.enqueue_dma source(%dma_start3A_40 : memref<128xi32, #tpu.memory_space<hbm>>) target(%arg8 : memref<128xi32, #tpu.memory_space<vmem>>) target_semaphore(%arg14 : memref<!tpu.dma_semaphore, #tpu.memory_space<semaphore_mem>>)
    %dma_start3A_41 = tpu.memref_slice %arg3[%add3A_38] : memref<327680xi32, #tpu.memory_space<hbm>> -> memref<128xi32, #tpu.memory_space<hbm>>
    %dma_start3A_42 = tpu.memref_slice %arg3[%add3A_38] : memref<327680xi32, #tpu.memory_space<hbm>> -> memref<128xi32, #tpu.memory_space<hbm>>
    tpu.enqueue_dma source(%dma_start3A_42 : memref<128xi32, #tpu.memory_space<hbm>>) target(%arg9 : memref<128xi32, #tpu.memory_space<vmem>>) target_semaphore(%arg14 : memref<!tpu.dma_semaphore, #tpu.memory_space<semaphore_mem>>)
    %jit3A_43 = arith.constant 2 : i32
    %div3A = arith.divsi %select_n3A, %jit3A_43 : i32
    %sign3A = arith.constant 0 : i32
    %sign3A_44 = arith.cmpi sgt, %select_n3A, %sign3A : i32
    %sign3A_45 = arith.extui %sign3A_44 : i1 to i32
    %sign3A_46 = arith.constant 0 : i32
    %sign3A_47 = arith.cmpi slt, %select_n3A, %sign3A_46 : i32
    %sign3A_48 = arith.extui %sign3A_47 : i1 to i32
    %sign3A_49 = arith.subi %sign3A_45, %sign3A_48 : i32
    %sign3A_50 = arith.constant 0 : i32
    %sign3A_51 = arith.cmpi sgt, %jit3A_43, %sign3A_50 : i32
    %sign3A_52 = arith.extui %sign3A_51 : i1 to i32
    %sign3A_53 = arith.constant 0 : i32
    %sign3A_54 = arith.cmpi slt, %jit3A_43, %sign3A_53 : i32
    %sign3A_55 = arith.extui %sign3A_54 : i1 to i32
    %sign3A_56 = arith.subi %sign3A_52, %sign3A_55 : i32
    %ne3A = arith.cmpi ne, %sign3A_49, %sign3A_56 : i32
    %rem3A = arith.remsi %select_n3A, %jit3A_43 : i32
    %ne3A_57 = arith.constant 0 : i32
    %ne3A_58 = arith.cmpi ne, %rem3A, %ne3A_57 : i32
    %and3A = arith.andi %ne3A, %ne3A_58 : i1
    %sub3A = arith.constant 1 : i32
    %sub3A_59 = arith.subi %div3A, %sub3A : i32
    %select_n3A_60 = arith.select %and3A, %sub3A_59, %div3A : i32
    %while3A = arith.constant 0 : i32
    %while3A_61 = arith.constant 0 : i32
    %while3A_62 = arith.subi %select_n3A_60, %while3A : i32
    %while3A_63 = arith.addi %while3A, %while3A_62 : i32
    %while3A_64 = arith.constant 1 : i32
    %while3A_65 = arith.divsi %while3A_62, %while3A_64 : i32
    %while3A_66 = arith.muli %while3A_65, %while3A_64 : i32
    %while3A_67 = arith.addi %while3A, %while3A_66 : i32
    %while3A_68 = arith.constant 1 : i32
    %while3A_69 = scf.for %while3A_83 = %while3A to %while3A_67 step %while3A_68 iter_args(%while3A_84 = %while3A_61) -> (i32)  : i32 {
      %mul3A_85 = arith.constant 2 : i32
      %mul3A_86 = arith.muli %mul3A_85, %while3A_83 : i32
      %add3A_87 = arith.constant 1 : i32
      %add3A_88 = arith.addi %mul3A_86, %add3A_87 : i32
      %dma_wait3A_89 = arith.constant 0 : i32
      %dma_wait3A_90 = tpu.memref_slice %arg2[%dma_wait3A_89] : memref<327680xi32, #tpu.memory_space<hbm>> -> memref<128xi32, #tpu.memory_space<hbm>>
      %dma_wait3A_91 = arith.constant 0 : i32
      %dma_wait3A_92 = tpu.memref_slice %arg2[%dma_wait3A_91] : memref<327680xi32, #tpu.memory_space<hbm>> -> memref<128xi32, #tpu.memory_space<hbm>>
      tpu.wait_dma2 semaphore(%arg14 : memref<!tpu.dma_semaphore, #tpu.memory_space<semaphore_mem>>) src(%dma_wait3A_92 : memref<128xi32, #tpu.memory_space<hbm>>) dst(%arg8 : memref<128xi32, #tpu.memory_space<vmem>>)
      %dma_wait3A_93 = arith.constant 0 : i32
      %dma_wait3A_94 = tpu.memref_slice %arg3[%dma_wait3A_93] : memref<327680xi32, #tpu.memory_space<hbm>> -> memref<128xi32, #tpu.memory_space<hbm>>
      %dma_wait3A_95 = arith.constant 0 : i32
      %dma_wait3A_96 = tpu.memref_slice %arg3[%dma_wait3A_95] : memref<327680xi32, #tpu.memory_space<hbm>> -> memref<128xi32, #tpu.memory_space<hbm>>
      tpu.wait_dma2 semaphore(%arg14 : memref<!tpu.dma_semaphore, #tpu.memory_space<semaphore_mem>>) src(%dma_wait3A_96 : memref<128xi32, #tpu.memory_space<hbm>>) dst(%arg9 : memref<128xi32, #tpu.memory_space<vmem>>)
      %dma_start3A_97 = arith.constant 0 : i32
      %dma_start3A_98 = arith.constant 0 : i32
      %dma_start3A_99 = tpu.memref_slice %arg4[%dma_start3A_97, %dma_start3A_98] : memref<10000x128xf32, #tpu.memory_space<hbm>> -> memref<10000x128xf32, #tpu.memory_space<hbm>>
      tpu.enqueue_indirect_dma source(%dma_start3A_99 : memref<10000x128xf32, #tpu.memory_space<hbm>>) target(%arg11 : memref<128x128xf32, #tpu.memory_space<vmem>>) offsets(%arg8 : memref<128xi32, #tpu.memory_space<vmem>>) semaphore(%arg16 : memref<!tpu.dma_semaphore, #tpu.memory_space<semaphore_mem>>)
      %dma_wait3A_100 = arith.constant 0 : i32
      %dma_wait3A_101 = arith.constant 0 : i32
      %dma_wait3A_102 = tpu.memref_slice %arg4[%dma_wait3A_100, %dma_wait3A_101] : memref<10000x128xf32, #tpu.memory_space<hbm>> -> memref<128x128xf32, #tpu.memory_space<hbm>>
      %dma_wait3A_103 = arith.constant 0 : i32
      %dma_wait3A_104 = arith.constant 0 : i32
      %dma_wait3A_105 = tpu.memref_slice %arg4[%dma_wait3A_103, %dma_wait3A_104] : memref<10000x128xf32, #tpu.memory_space<hbm>> -> memref<128x128xf32, #tpu.memory_space<hbm>>
      tpu.wait_dma2 semaphore(%arg15 : memref<!tpu.dma_semaphore, #tpu.memory_space<semaphore_mem>>) src(%dma_wait3A_105 : memref<128x128xf32, #tpu.memory_space<hbm>>) dst(%arg10 : memref<128x128xf32, #tpu.memory_space<vmem>>)
      "tpu.region"() ({
        %run_scoped3A = tpu.sem_alloc : memref<!tpu.dma_semaphore, #tpu.memory_space<semaphore_mem>>
        %dma_start3A_131 = arith.constant 0 : i32
        %dma_start3A_132 = arith.constant 0 : i32
        %dma_start3A_133 = tpu.memref_slice %arg12[%dma_start3A_131, %dma_start3A_132] : memref<10016x128xf32, #tpu.memory_space<vmem_shared>> -> memref<10016x128xf32, #tpu.memory_space<vmem_shared>>
        tpu.enqueue_indirect_dma source(%arg10 : memref<128x128xf32, #tpu.memory_space<vmem>>) target(%dma_start3A_133 : memref<10016x128xf32, #tpu.memory_space<vmem_shared>>) offsets(%arg7 : memref<128xi32, #tpu.memory_space<vmem>>) semaphore(%run_scoped3A : memref<!tpu.dma_semaphore, #tpu.memory_space<semaphore_mem>>) {add = true}
        %dma_wait3A_134 = arith.constant 0 : i32
        %dma_wait3A_135 = arith.constant 0 : i32
        %dma_wait3A_136 = tpu.memref_slice %arg12[%dma_wait3A_134, %dma_wait3A_135] : memref<10016x128xf32, #tpu.memory_space<vmem_shared>> -> memref<10016x128xf32, #tpu.memory_space<vmem_shared>>
        tpu.wait_indirect_dma semaphore(%run_scoped3A : memref<!tpu.dma_semaphore, #tpu.memory_space<semaphore_mem>>) src(%arg10 : memref<128x128xf32, #tpu.memory_space<vmem>>) dst(%dma_wait3A_136 : memref<10016x128xf32, #tpu.memory_space<vmem_shared>>)
        tpu.yield
      }) : () -> ()
      %add3A_106 = arith.constant 2 : i32
      %add3A_107 = arith.addi %mul3A_86, %add3A_106 : i32
      %lt3A_108 = arith.cmpi slt, %add3A_107, %select_n3A : i32
      %convert_element_type3A_109 = arith.extui %lt3A_108 : i1 to i32
      %cond3A_110 = arith.constant 0 : i32
      %cond3A_111 = arith.cmpi ne, %convert_element_type3A_109, %cond3A_110 : i32
      scf.if %cond3A_111 {
        %add3A_131 = arith.constant 2 : i32
        %add3A_132 = arith.addi %mul3A_86, %add3A_131 : i32
        %mul3A_133 = arith.constant 128 : i32
        %mul3A_134 = arith.muli %add3A_132, %mul3A_133 : i32
        %add3A_135 = arith.addi %mul3A_6, %mul3A_134 : i32
        %dma_start3A_136 = tpu.memref_slice %arg2[%add3A_135] : memref<327680xi32, #tpu.memory_space<hbm>> -> memref<128xi32, #tpu.memory_space<hbm>>
        %dma_start3A_137 = tpu.memref_slice %arg2[%add3A_135] : memref<327680xi32, #tpu.memory_space<hbm>> -> memref<128xi32, #tpu.memory_space<hbm>>
        tpu.enqueue_dma source(%dma_start3A_137 : memref<128xi32, #tpu.memory_space<hbm>>) target(%arg6 : memref<128xi32, #tpu.memory_space<vmem>>) target_semaphore(%arg13 : memref<!tpu.dma_semaphore, #tpu.memory_space<semaphore_mem>>)
        %dma_start3A_138 = tpu.memref_slice %arg3[%add3A_135] : memref<327680xi32, #tpu.memory_space<hbm>> -> memref<128xi32, #tpu.memory_space<hbm>>
        %dma_start3A_139 = tpu.memref_slice %arg3[%add3A_135] : memref<327680xi32, #tpu.memory_space<hbm>> -> memref<128xi32, #tpu.memory_space<hbm>>
        tpu.enqueue_dma source(%dma_start3A_139 : memref<128xi32, #tpu.memory_space<hbm>>) target(%arg7 : memref<128xi32, #tpu.memory_space<vmem>>) target_semaphore(%arg13 : memref<!tpu.dma_semaphore, #tpu.memory_space<semaphore_mem>>)
      } else {
      }
      %dma_wait3A_112 = arith.constant 0 : i32
      %dma_wait3A_113 = arith.constant 0 : i32
      %dma_wait3A_114 = tpu.memref_slice %arg4[%dma_wait3A_112, %dma_wait3A_113] : memref<10000x128xf32, #tpu.memory_space<hbm>> -> memref<128x128xf32, #tpu.memory_space<hbm>>
      %dma_wait3A_115 = arith.constant 0 : i32
      %dma_wait3A_116 = arith.constant 0 : i32
      %dma_wait3A_117 = tpu.memref_slice %arg4[%dma_wait3A_115, %dma_wait3A_116] : memref<10000x128xf32, #tpu.memory_space<hbm>> -> memref<128x128xf32, #tpu.memory_space<hbm>>
      tpu.wait_dma2 semaphore(%arg16 : memref<!tpu.dma_semaphore, #tpu.memory_space<semaphore_mem>>) src(%dma_wait3A_117 : memref<128x128xf32, #tpu.memory_space<hbm>>) dst(%arg11 : memref<128x128xf32, #tpu.memory_space<vmem>>)
      "tpu.region"() ({
        %run_scoped3A = tpu.sem_alloc : memref<!tpu.dma_semaphore, #tpu.memory_space<semaphore_mem>>
        %dma_start3A_131 = arith.constant 0 : i32
        %dma_start3A_132 = arith.constant 0 : i32
        %dma_start3A_133 = tpu.memref_slice %arg12[%dma_start3A_131, %dma_start3A_132] : memref<10016x128xf32, #tpu.memory_space<vmem_shared>> -> memref<10016x128xf32, #tpu.memory_space<vmem_shared>>
        tpu.enqueue_indirect_dma source(%arg11 : memref<128x128xf32, #tpu.memory_space<vmem>>) target(%dma_start3A_133 : memref<10016x128xf32, #tpu.memory_space<vmem_shared>>) offsets(%arg9 : memref<128xi32, #tpu.memory_space<vmem>>) semaphore(%run_scoped3A : memref<!tpu.dma_semaphore, #tpu.memory_space<semaphore_mem>>) {add = true}
        %dma_wait3A_134 = arith.constant 0 : i32
        %dma_wait3A_135 = arith.constant 0 : i32
        %dma_wait3A_136 = tpu.memref_slice %arg12[%dma_wait3A_134, %dma_wait3A_135] : memref<10016x128xf32, #tpu.memory_space<vmem_shared>> -> memref<10016x128xf32, #tpu.memory_space<vmem_shared>>
        tpu.wait_indirect_dma semaphore(%run_scoped3A : memref<!tpu.dma_semaphore, #tpu.memory_space<semaphore_mem>>) src(%arg11 : memref<128x128xf32, #tpu.memory_space<vmem>>) dst(%dma_wait3A_136 : memref<10016x128xf32, #tpu.memory_space<vmem_shared>>)
        tpu.yield
      }) : () -> ()
      %add3A_118 = arith.constant 2 : i32
      %add3A_119 = arith.addi %mul3A_86, %add3A_118 : i32
      %lt3A_120 = arith.cmpi slt, %add3A_119, %select_n3A : i32
      %convert_element_type3A_121 = arith.extui %lt3A_120 : i1 to i32
      %cond3A_122 = arith.constant 0 : i32
      %cond3A_123 = arith.cmpi ne, %convert_element_type3A_121, %cond3A_122 : i32
      scf.if %cond3A_123 {
        %dma_wait3A_131 = arith.constant 0 : i32
        %dma_wait3A_132 = tpu.memref_slice %arg2[%dma_wait3A_131] : memref<327680xi32, #tpu.memory_space<hbm>> -> memref<128xi32, #tpu.memory_space<hbm>>
        %dma_wait3A_133 = arith.constant 0 : i32
        %dma_wait3A_134 = tpu.memref_slice %arg2[%dma_wait3A_133] : memref<327680xi32, #tpu.memory_space<hbm>> -> memref<128xi32, #tpu.memory_space<hbm>>
        tpu.wait_dma2 semaphore(%arg13 : memref<!tpu.dma_semaphore, #tpu.memory_space<semaphore_mem>>) src(%dma_wait3A_134 : memref<128xi32, #tpu.memory_space<hbm>>) dst(%arg6 : memref<128xi32, #tpu.memory_space<vmem>>)
        %dma_wait3A_135 = arith.constant 0 : i32
        %dma_wait3A_136 = tpu.memref_slice %arg3[%dma_wait3A_135] : memref<327680xi32, #tpu.memory_space<hbm>> -> memref<128xi32, #tpu.memory_space<hbm>>
        %dma_wait3A_137 = arith.constant 0 : i32
        %dma_wait3A_138 = tpu.memref_slice %arg3[%dma_wait3A_137] : memref<327680xi32, #tpu.memory_space<hbm>> -> memref<128xi32, #tpu.memory_space<hbm>>
        tpu.wait_dma2 semaphore(%arg13 : memref<!tpu.dma_semaphore, #tpu.memory_space<semaphore_mem>>) src(%dma_wait3A_138 : memref<128xi32, #tpu.memory_space<hbm>>) dst(%arg7 : memref<128xi32, #tpu.memory_space<vmem>>)
        %dma_start3A_139 = arith.constant 0 : i32
        %dma_start3A_140 = arith.constant 0 : i32
        %dma_start3A_141 = tpu.memref_slice %arg4[%dma_start3A_139, %dma_start3A_140] : memref<10000x128xf32, #tpu.memory_space<hbm>> -> memref<10000x128xf32, #tpu.memory_space<hbm>>
        tpu.enqueue_indirect_dma source(%dma_start3A_141 : memref<10000x128xf32, #tpu.memory_space<hbm>>) target(%arg10 : memref<128x128xf32, #tpu.memory_space<vmem>>) offsets(%arg6 : memref<128xi32, #tpu.memory_space<vmem>>) semaphore(%arg15 : memref<!tpu.dma_semaphore, #tpu.memory_space<semaphore_mem>>)
      } else {
      }
      %add3A_124 = arith.constant 2 : i32
      %add3A_125 = arith.addi %add3A_88, %add3A_124 : i32
      %lt3A_126 = arith.cmpi slt, %add3A_125, %select_n3A : i32
      %convert_element_type3A_127 = arith.extui %lt3A_126 : i1 to i32
      %cond3A_128 = arith.constant 0 : i32
      %cond3A_129 = arith.cmpi ne, %convert_element_type3A_127, %cond3A_128 : i32
      scf.if %cond3A_129 {
        %add3A_131 = arith.constant 2 : i32
        %add3A_132 = arith.addi %add3A_88, %add3A_131 : i32
        %mul3A_133 = arith.constant 128 : i32
        %mul3A_134 = arith.muli %add3A_132, %mul3A_133 : i32
        %add3A_135 = arith.addi %mul3A_6, %mul3A_134 : i32
        %dma_start3A_136 = tpu.memref_slice %arg2[%add3A_135] : memref<327680xi32, #tpu.memory_space<hbm>> -> memref<128xi32, #tpu.memory_space<hbm>>
        %dma_start3A_137 = tpu.memref_slice %arg2[%add3A_135] : memref<327680xi32, #tpu.memory_space<hbm>> -> memref<128xi32, #tpu.memory_space<hbm>>
        tpu.enqueue_dma source(%dma_start3A_137 : memref<128xi32, #tpu.memory_space<hbm>>) target(%arg8 : memref<128xi32, #tpu.memory_space<vmem>>) target_semaphore(%arg14 : memref<!tpu.dma_semaphore, #tpu.memory_space<semaphore_mem>>)
        %dma_start3A_138 = tpu.memref_slice %arg3[%add3A_135] : memref<327680xi32, #tpu.memory_space<hbm>> -> memref<128xi32, #tpu.memory_space<hbm>>
        %dma_start3A_139 = tpu.memref_slice %arg3[%add3A_135] : memref<327680xi32, #tpu.memory_space<hbm>> -> memref<128xi32, #tpu.memory_space<hbm>>
        tpu.enqueue_dma source(%dma_start3A_139 : memref<128xi32, #tpu.memory_space<hbm>>) target(%arg9 : memref<128xi32, #tpu.memory_space<vmem>>) target_semaphore(%arg14 : memref<!tpu.dma_semaphore, #tpu.memory_space<semaphore_mem>>)
      } else {
      }
      %while3A_130 = arith.constant 0 : i32
      scf.yield %while3A_130 : i32
    }
    %while3A_70 = arith.constant 1 : i32
    %while3A_71 = scf.for %while3A_83 = %while3A_67 to %while3A_63 step %while3A_70 iter_args(%while3A_84 = %while3A_69) -> (i32)  : i32 {
      %mul3A_85 = arith.constant 2 : i32
      %mul3A_86 = arith.muli %mul3A_85, %while3A_83 : i32
      %add3A_87 = arith.constant 1 : i32
      %add3A_88 = arith.addi %mul3A_86, %add3A_87 : i32
      %dma_wait3A_89 = arith.constant 0 : i32
      %dma_wait3A_90 = tpu.memref_slice %arg2[%dma_wait3A_89] : memref<327680xi32, #tpu.memory_space<hbm>> -> memref<128xi32, #tpu.memory_space<hbm>>
      %dma_wait3A_91 = arith.constant 0 : i32
      %dma_wait3A_92 = tpu.memref_slice %arg2[%dma_wait3A_91] : memref<327680xi32, #tpu.memory_space<hbm>> -> memref<128xi32, #tpu.memory_space<hbm>>
      tpu.wait_dma2 semaphore(%arg14 : memref<!tpu.dma_semaphore, #tpu.memory_space<semaphore_mem>>) src(%dma_wait3A_92 : memref<128xi32, #tpu.memory_space<hbm>>) dst(%arg8 : memref<128xi32, #tpu.memory_space<vmem>>)
      %dma_wait3A_93 = arith.constant 0 : i32
      %dma_wait3A_94 = tpu.memref_slice %arg3[%dma_wait3A_93] : memref<327680xi32, #tpu.memory_space<hbm>> -> memref<128xi32, #tpu.memory_space<hbm>>
      %dma_wait3A_95 = arith.constant 0 : i32
      %dma_wait3A_96 = tpu.memref_slice %arg3[%dma_wait3A_95] : memref<327680xi32, #tpu.memory_space<hbm>> -> memref<128xi32, #tpu.memory_space<hbm>>
      tpu.wait_dma2 semaphore(%arg14 : memref<!tpu.dma_semaphore, #tpu.memory_space<semaphore_mem>>) src(%dma_wait3A_96 : memref<128xi32, #tpu.memory_space<hbm>>) dst(%arg9 : memref<128xi32, #tpu.memory_space<vmem>>)
      %dma_start3A_97 = arith.constant 0 : i32
      %dma_start3A_98 = arith.constant 0 : i32
      %dma_start3A_99 = tpu.memref_slice %arg4[%dma_start3A_97, %dma_start3A_98] : memref<10000x128xf32, #tpu.memory_space<hbm>> -> memref<10000x128xf32, #tpu.memory_space<hbm>>
      tpu.enqueue_indirect_dma source(%dma_start3A_99 : memref<10000x128xf32, #tpu.memory_space<hbm>>) target(%arg11 : memref<128x128xf32, #tpu.memory_space<vmem>>) offsets(%arg8 : memref<128xi32, #tpu.memory_space<vmem>>) semaphore(%arg16 : memref<!tpu.dma_semaphore, #tpu.memory_space<semaphore_mem>>)
      %dma_wait3A_100 = arith.constant 0 : i32
      %dma_wait3A_101 = arith.constant 0 : i32
      %dma_wait3A_102 = tpu.memref_slice %arg4[%dma_wait3A_100, %dma_wait3A_101] : memref<10000x128xf32, #tpu.memory_space<hbm>> -> memref<128x128xf32, #tpu.memory_space<hbm>>
      %dma_wait3A_103 = arith.constant 0 : i32
      %dma_wait3A_104 = arith.constant 0 : i32
      %dma_wait3A_105 = tpu.memref_slice %arg4[%dma_wait3A_103, %dma_wait3A_104] : memref<10000x128xf32, #tpu.memory_space<hbm>> -> memref<128x128xf32, #tpu.memory_space<hbm>>
      tpu.wait_dma2 semaphore(%arg15 : memref<!tpu.dma_semaphore, #tpu.memory_space<semaphore_mem>>) src(%dma_wait3A_105 : memref<128x128xf32, #tpu.memory_space<hbm>>) dst(%arg10 : memref<128x128xf32, #tpu.memory_space<vmem>>)
      "tpu.region"() ({
        %run_scoped3A = tpu.sem_alloc : memref<!tpu.dma_semaphore, #tpu.memory_space<semaphore_mem>>
        %dma_start3A_131 = arith.constant 0 : i32
        %dma_start3A_132 = arith.constant 0 : i32
        %dma_start3A_133 = tpu.memref_slice %arg12[%dma_start3A_131, %dma_start3A_132] : memref<10016x128xf32, #tpu.memory_space<vmem_shared>> -> memref<10016x128xf32, #tpu.memory_space<vmem_shared>>
        tpu.enqueue_indirect_dma source(%arg10 : memref<128x128xf32, #tpu.memory_space<vmem>>) target(%dma_start3A_133 : memref<10016x128xf32, #tpu.memory_space<vmem_shared>>) offsets(%arg7 : memref<128xi32, #tpu.memory_space<vmem>>) semaphore(%run_scoped3A : memref<!tpu.dma_semaphore, #tpu.memory_space<semaphore_mem>>) {add = true}
        %dma_wait3A_134 = arith.constant 0 : i32
        %dma_wait3A_135 = arith.constant 0 : i32
        %dma_wait3A_136 = tpu.memref_slice %arg12[%dma_wait3A_134, %dma_wait3A_135] : memref<10016x128xf32, #tpu.memory_space<vmem_shared>> -> memref<10016x128xf32, #tpu.memory_space<vmem_shared>>
        tpu.wait_indirect_dma semaphore(%run_scoped3A : memref<!tpu.dma_semaphore, #tpu.memory_space<semaphore_mem>>) src(%arg10 : memref<128x128xf32, #tpu.memory_space<vmem>>) dst(%dma_wait3A_136 : memref<10016x128xf32, #tpu.memory_space<vmem_shared>>)
        tpu.yield
      }) : () -> ()
      %add3A_106 = arith.constant 2 : i32
      %add3A_107 = arith.addi %mul3A_86, %add3A_106 : i32
      %lt3A_108 = arith.cmpi slt, %add3A_107, %select_n3A : i32
      %convert_element_type3A_109 = arith.extui %lt3A_108 : i1 to i32
      %cond3A_110 = arith.constant 0 : i32
      %cond3A_111 = arith.cmpi ne, %convert_element_type3A_109, %cond3A_110 : i32
      scf.if %cond3A_111 {
        %add3A_131 = arith.constant 2 : i32
        %add3A_132 = arith.addi %mul3A_86, %add3A_131 : i32
        %mul3A_133 = arith.constant 128 : i32
        %mul3A_134 = arith.muli %add3A_132, %mul3A_133 : i32
        %add3A_135 = arith.addi %mul3A_6, %mul3A_134 : i32
        %dma_start3A_136 = tpu.memref_slice %arg2[%add3A_135] : memref<327680xi32, #tpu.memory_space<hbm>> -> memref<128xi32, #tpu.memory_space<hbm>>
        %dma_start3A_137 = tpu.memref_slice %arg2[%add3A_135] : memref<327680xi32, #tpu.memory_space<hbm>> -> memref<128xi32, #tpu.memory_space<hbm>>
        tpu.enqueue_dma source(%dma_start3A_137 : memref<128xi32, #tpu.memory_space<hbm>>) target(%arg6 : memref<128xi32, #tpu.memory_space<vmem>>) target_semaphore(%arg13 : memref<!tpu.dma_semaphore, #tpu.memory_space<semaphore_mem>>)
        %dma_start3A_138 = tpu.memref_slice %arg3[%add3A_135] : memref<327680xi32, #tpu.memory_space<hbm>> -> memref<128xi32, #tpu.memory_space<hbm>>
        %dma_start3A_139 = tpu.memref_slice %arg3[%add3A_135] : memref<327680xi32, #tpu.memory_space<hbm>> -> memref<128xi32, #tpu.memory_space<hbm>>
        tpu.enqueue_dma source(%dma_start3A_139 : memref<128xi32, #tpu.memory_space<hbm>>) target(%arg7 : memref<128xi32, #tpu.memory_space<vmem>>) target_semaphore(%arg13 : memref<!tpu.dma_semaphore, #tpu.memory_space<semaphore_mem>>)
      } else {
      }
      %dma_wait3A_112 = arith.constant 0 : i32
      %dma_wait3A_113 = arith.constant 0 : i32
      %dma_wait3A_114 = tpu.memref_slice %arg4[%dma_wait3A_112, %dma_wait3A_113] : memref<10000x128xf32, #tpu.memory_space<hbm>> -> memref<128x128xf32, #tpu.memory_space<hbm>>
      %dma_wait3A_115 = arith.constant 0 : i32
      %dma_wait3A_116 = arith.constant 0 : i32
      %dma_wait3A_117 = tpu.memref_slice %arg4[%dma_wait3A_115, %dma_wait3A_116] : memref<10000x128xf32, #tpu.memory_space<hbm>> -> memref<128x128xf32, #tpu.memory_space<hbm>>
      tpu.wait_dma2 semaphore(%arg16 : memref<!tpu.dma_semaphore, #tpu.memory_space<semaphore_mem>>) src(%dma_wait3A_117 : memref<128x128xf32, #tpu.memory_space<hbm>>) dst(%arg11 : memref<128x128xf32, #tpu.memory_space<vmem>>)
      "tpu.region"() ({
        %run_scoped3A = tpu.sem_alloc : memref<!tpu.dma_semaphore, #tpu.memory_space<semaphore_mem>>
        %dma_start3A_131 = arith.constant 0 : i32
        %dma_start3A_132 = arith.constant 0 : i32
        %dma_start3A_133 = tpu.memref_slice %arg12[%dma_start3A_131, %dma_start3A_132] : memref<10016x128xf32, #tpu.memory_space<vmem_shared>> -> memref<10016x128xf32, #tpu.memory_space<vmem_shared>>
        tpu.enqueue_indirect_dma source(%arg11 : memref<128x128xf32, #tpu.memory_space<vmem>>) target(%dma_start3A_133 : memref<10016x128xf32, #tpu.memory_space<vmem_shared>>) offsets(%arg9 : memref<128xi32, #tpu.memory_space<vmem>>) semaphore(%run_scoped3A : memref<!tpu.dma_semaphore, #tpu.memory_space<semaphore_mem>>) {add = true}
        %dma_wait3A_134 = arith.constant 0 : i32
        %dma_wait3A_135 = arith.constant 0 : i32
        %dma_wait3A_136 = tpu.memref_slice %arg12[%dma_wait3A_134, %dma_wait3A_135] : memref<10016x128xf32, #tpu.memory_space<vmem_shared>> -> memref<10016x128xf32, #tpu.memory_space<vmem_shared>>
        tpu.wait_indirect_dma semaphore(%run_scoped3A : memref<!tpu.dma_semaphore, #tpu.memory_space<semaphore_mem>>) src(%arg11 : memref<128x128xf32, #tpu.memory_space<vmem>>) dst(%dma_wait3A_136 : memref<10016x128xf32, #tpu.memory_space<vmem_shared>>)
        tpu.yield
      }) : () -> ()
      %add3A_118 = arith.constant 2 : i32
      %add3A_119 = arith.addi %mul3A_86, %add3A_118 : i32
      %lt3A_120 = arith.cmpi slt, %add3A_119, %select_n3A : i32
      %convert_element_type3A_121 = arith.extui %lt3A_120 : i1 to i32
      %cond3A_122 = arith.constant 0 : i32
      %cond3A_123 = arith.cmpi ne, %convert_element_type3A_121, %cond3A_122 : i32
      scf.if %cond3A_123 {
        %dma_wait3A_131 = arith.constant 0 : i32
        %dma_wait3A_132 = tpu.memref_slice %arg2[%dma_wait3A_131] : memref<327680xi32, #tpu.memory_space<hbm>> -> memref<128xi32, #tpu.memory_space<hbm>>
        %dma_wait3A_133 = arith.constant 0 : i32
        %dma_wait3A_134 = tpu.memref_slice %arg2[%dma_wait3A_133] : memref<327680xi32, #tpu.memory_space<hbm>> -> memref<128xi32, #tpu.memory_space<hbm>>
        tpu.wait_dma2 semaphore(%arg13 : memref<!tpu.dma_semaphore, #tpu.memory_space<semaphore_mem>>) src(%dma_wait3A_134 : memref<128xi32, #tpu.memory_space<hbm>>) dst(%arg6 : memref<128xi32, #tpu.memory_space<vmem>>)
        %dma_wait3A_135 = arith.constant 0 : i32
        %dma_wait3A_136 = tpu.memref_slice %arg3[%dma_wait3A_135] : memref<327680xi32, #tpu.memory_space<hbm>> -> memref<128xi32, #tpu.memory_space<hbm>>
        %dma_wait3A_137 = arith.constant 0 : i32
        %dma_wait3A_138 = tpu.memref_slice %arg3[%dma_wait3A_137] : memref<327680xi32, #tpu.memory_space<hbm>> -> memref<128xi32, #tpu.memory_space<hbm>>
        tpu.wait_dma2 semaphore(%arg13 : memref<!tpu.dma_semaphore, #tpu.memory_space<semaphore_mem>>) src(%dma_wait3A_138 : memref<128xi32, #tpu.memory_space<hbm>>) dst(%arg7 : memref<128xi32, #tpu.memory_space<vmem>>)
        %dma_start3A_139 = arith.constant 0 : i32
        %dma_start3A_140 = arith.constant 0 : i32
        %dma_start3A_141 = tpu.memref_slice %arg4[%dma_start3A_139, %dma_start3A_140] : memref<10000x128xf32, #tpu.memory_space<hbm>> -> memref<10000x128xf32, #tpu.memory_space<hbm>>
        tpu.enqueue_indirect_dma source(%dma_start3A_141 : memref<10000x128xf32, #tpu.memory_space<hbm>>) target(%arg10 : memref<128x128xf32, #tpu.memory_space<vmem>>) offsets(%arg6 : memref<128xi32, #tpu.memory_space<vmem>>) semaphore(%arg15 : memref<!tpu.dma_semaphore, #tpu.memory_space<semaphore_mem>>)
      } else {
      }
      %add3A_124 = arith.constant 2 : i32
      %add3A_125 = arith.addi %add3A_88, %add3A_124 : i32
      %lt3A_126 = arith.cmpi slt, %add3A_125, %select_n3A : i32
      %convert_element_type3A_127 = arith.extui %lt3A_126 : i1 to i32
      %cond3A_128 = arith.constant 0 : i32
      %cond3A_129 = arith.cmpi ne, %convert_element_type3A_127, %cond3A_128 : i32
      scf.if %cond3A_129 {
        %add3A_131 = arith.constant 2 : i32
        %add3A_132 = arith.addi %add3A_88, %add3A_131 : i32
        %mul3A_133 = arith.constant 128 : i32
        %mul3A_134 = arith.muli %add3A_132, %mul3A_133 : i32
        %add3A_135 = arith.addi %mul3A_6, %mul3A_134 : i32
        %dma_start3A_136 = tpu.memref_slice %arg2[%add3A_135] : memref<327680xi32, #tpu.memory_space<hbm>> -> memref<128xi32, #tpu.memory_space<hbm>>
        %dma_start3A_137 = tpu.memref_slice %arg2[%add3A_135] : memref<327680xi32, #tpu.memory_space<hbm>> -> memref<128xi32, #tpu.memory_space<hbm>>
        tpu.enqueue_dma source(%dma_start3A_137 : memref<128xi32, #tpu.memory_space<hbm>>) target(%arg8 : memref<128xi32, #tpu.memory_space<vmem>>) target_semaphore(%arg14 : memref<!tpu.dma_semaphore, #tpu.memory_space<semaphore_mem>>)
        %dma_start3A_138 = tpu.memref_slice %arg3[%add3A_135] : memref<327680xi32, #tpu.memory_space<hbm>> -> memref<128xi32, #tpu.memory_space<hbm>>
        %dma_start3A_139 = tpu.memref_slice %arg3[%add3A_135] : memref<327680xi32, #tpu.memory_space<hbm>> -> memref<128xi32, #tpu.memory_space<hbm>>
        tpu.enqueue_dma source(%dma_start3A_139 : memref<128xi32, #tpu.memory_space<hbm>>) target(%arg9 : memref<128xi32, #tpu.memory_space<vmem>>) target_semaphore(%arg14 : memref<!tpu.dma_semaphore, #tpu.memory_space<semaphore_mem>>)
      } else {
      }
      %while3A_130 = arith.constant 0 : i32
      scf.yield %while3A_130 : i32
    }
    %barrier3A_72 = arith.constant 0 : index
    tpu.barrier barrier_id(%barrier3A_72)
    %lt3A_73 = arith.constant 15 : i32
    %lt3A_74 = arith.cmpi slt, %arg1, %lt3A_73 : i32
    %convert_element_type3A_75 = arith.extui %lt3A_74 : i1 to i32
    %cond3A_76 = arith.constant 0 : i32
    %cond3A_77 = arith.cmpi ne, %convert_element_type3A_75, %cond3A_76 : i32
    scf.if %cond3A_77 {
      %mul3A_83 = arith.constant 632 : i32
      %mul3A_84 = arith.muli %arg1, %mul3A_83 : i32
      %multiple_of3A = tpu.assume_multiple %mul3A_84, 8 : i32
      "tpu.region"() ({
        %run_scoped3A = tpu.sem_alloc : memref<!tpu.dma_semaphore, #tpu.memory_space<semaphore_mem>>
        %dma_start3A_85 = arith.constant 0 : i32
        %dma_start3A_86 = tpu.memref_slice %arg5[%arg0, %multiple_of3A, %dma_start3A_85] : memref<2x10000x128xf32, #tpu.memory_space<hbm>> -> memref<1x632x128xf32, #tpu.memory_space<hbm>>
        %dma_start3A_87 = tpu.memref_squeeze %dma_start3A_86 : memref<1x632x128xf32, #tpu.memory_space<hbm>> -> memref<632x128xf32, #tpu.memory_space<hbm>>
        %dma_start3A_88 = arith.constant 0 : i32
        %dma_start3A_89 = tpu.memref_slice %arg12[%multiple_of3A, %dma_start3A_88] : memref<10016x128xf32, #tpu.memory_space<vmem_shared>> -> memref<632x128xf32, #tpu.memory_space<vmem_shared>>
        tpu.enqueue_dma source(%dma_start3A_89 : memref<632x128xf32, #tpu.memory_space<vmem_shared>>) target(%dma_start3A_87 : memref<632x128xf32, #tpu.memory_space<hbm>>) target_semaphore(%run_scoped3A : memref<!tpu.dma_semaphore, #tpu.memory_space<semaphore_mem>>)
        %dma_wait3A_90 = arith.constant 0 : i32
        %dma_wait3A_91 = tpu.memref_slice %arg5[%arg0, %multiple_of3A, %dma_wait3A_90] : memref<2x10000x128xf32, #tpu.memory_space<hbm>> -> memref<1x632x128xf32, #tpu.memory_space<hbm>>
        %dma_wait3A_92 = tpu.memref_squeeze %dma_wait3A_91 : memref<1x632x128xf32, #tpu.memory_space<hbm>> -> memref<632x128xf32, #tpu.memory_space<hbm>>
        %dma_wait3A_93 = arith.constant 0 : i32
        %dma_wait3A_94 = tpu.memref_slice %arg12[%multiple_of3A, %dma_wait3A_93] : memref<10016x128xf32, #tpu.memory_space<vmem_shared>> -> memref<632x128xf32, #tpu.memory_space<vmem_shared>>
        tpu.wait_dma2 semaphore(%run_scoped3A : memref<!tpu.dma_semaphore, #tpu.memory_space<semaphore_mem>>) src(%dma_wait3A_94 : memref<632x128xf32, #tpu.memory_space<vmem_shared>>) dst(%dma_wait3A_92 : memref<632x128xf32, #tpu.memory_space<hbm>>)
        tpu.yield
      }) : () -> ()
    } else {
    }
    %eq3A_78 = arith.constant 15 : i32
    %eq3A_79 = arith.cmpi eq, %arg1, %eq3A_78 : i32
    %convert_element_type3A_80 = arith.extui %eq3A_79 : i1 to i32
    %cond3A_81 = arith.constant 0 : i32
    %cond3A_82 = arith.cmpi ne, %convert_element_type3A_80, %cond3A_81 : i32
    scf.if %cond3A_82 {
      "tpu.region"() ({
        %run_scoped3A = tpu.sem_alloc : memref<!tpu.dma_semaphore, #tpu.memory_space<semaphore_mem>>
        %dma_start3A_83 = arith.constant 9480 : i32
        %dma_start3A_84 = arith.constant 0 : i32
        %dma_start3A_85 = tpu.memref_slice %arg5[%arg0, %dma_start3A_83, %dma_start3A_84] : memref<2x10000x128xf32, #tpu.memory_space<hbm>> -> memref<1x520x128xf32, #tpu.memory_space<hbm>>
        %dma_start3A_86 = tpu.memref_squeeze %dma_start3A_85 : memref<1x520x128xf32, #tpu.memory_space<hbm>> -> memref<520x128xf32, #tpu.memory_space<hbm>>
        %dma_start3A_87 = arith.constant 9480 : i32
        %dma_start3A_88 = arith.constant 0 : i32
        %dma_start3A_89 = tpu.memref_slice %arg12[%dma_start3A_87, %dma_start3A_88] : memref<10016x128xf32, #tpu.memory_space<vmem_shared>> -> memref<520x128xf32, #tpu.memory_space<vmem_shared>>
        tpu.enqueue_dma source(%dma_start3A_89 : memref<520x128xf32, #tpu.memory_space<vmem_shared>>) target(%dma_start3A_86 : memref<520x128xf32, #tpu.memory_space<hbm>>) target_semaphore(%run_scoped3A : memref<!tpu.dma_semaphore, #tpu.memory_space<semaphore_mem>>)
        %dma_wait3A_90 = arith.constant 9480 : i32
        %dma_wait3A_91 = arith.constant 0 : i32
        %dma_wait3A_92 = tpu.memref_slice %arg5[%arg0, %dma_wait3A_90, %dma_wait3A_91] : memref<2x10000x128xf32, #tpu.memory_space<hbm>> -> memref<1x520x128xf32, #tpu.memory_space<hbm>>
        %dma_wait3A_93 = tpu.memref_squeeze %dma_wait3A_92 : memref<1x520x128xf32, #tpu.memory_space<hbm>> -> memref<520x128xf32, #tpu.memory_space<hbm>>
        %dma_wait3A_94 = arith.constant 9480 : i32
        %dma_wait3A_95 = arith.constant 0 : i32
        %dma_wait3A_96 = tpu.memref_slice %arg12[%dma_wait3A_94, %dma_wait3A_95] : memref<10016x128xf32, #tpu.memory_space<vmem_shared>> -> memref<520x128xf32, #tpu.memory_space<vmem_shared>>
        tpu.wait_dma2 semaphore(%run_scoped3A : memref<!tpu.dma_semaphore, #tpu.memory_space<semaphore_mem>>) src(%dma_wait3A_96 : memref<520x128xf32, #tpu.memory_space<vmem_shared>>) dst(%dma_wait3A_93 : memref<520x128xf32, #tpu.memory_space<hbm>>)
        tpu.yield
      }) : () -> ()
    } else {
    }
    return
  }
}

module attributes {stable_mosaic.version = 14 : i64} {
  func.func @_mm_body(%arg0: i32, %arg1: memref<1000x128xf32, #tpu.memory_space<vmem>>, %arg2: memref<128x128xf32, #tpu.memory_space<vmem>>, %arg3: memref<1000x128xf32, #tpu.memory_space<vmem>>) attributes {dimension_semantics = [#tpu.dimension_semantics<arbitrary>], iteration_bounds = array<i64: 10>, scalar_prefetch = 0 : i64, scratch_operands = 0 : i64, tpu.core_type = #tpu.core_type<tc>, window_params = [{transform_indices = @transform_0, window_bounds = array<i64: 1000, 128>}, {pipeline_mode = #tpu.pipeline_mode<synchronous>, transform_indices = @transform_1, window_bounds = array<i64: 128, 128>}, {transform_indices = @transform_2, window_bounds = array<i64: 1000, 128>}]} {
    %get3A = arith.constant 0 : index
    %get3A_0 = arith.constant 0 : index
    %get3A_1 = vector.load %arg1[%get3A, %get3A_0] : memref<1000x128xf32, #tpu.memory_space<vmem>>, vector<1000x128xf32>
    %get3A_2 = arith.constant 0 : index
    %get3A_3 = arith.constant 0 : index
    %get3A_4 = vector.load %arg2[%get3A_2, %get3A_3] : memref<128x128xf32, #tpu.memory_space<vmem>>, vector<128x128xf32>
    %dot_general3A = arith.constant dense<0.000000e+00> : vector<1000x128xf32>
    %dot_general3A_5 = tpu.matmul %get3A_1, %get3A_4, %dot_general3A {dimension_numbers = #tpu.dot_dimension_numbers<[1], [0], [0], [1], [0, 0, 1, 1], [], []>, transpose_lhs_hint = false} : vector<1000x128xf32>, vector<128x128xf32>, vector<1000x128xf32> -> vector<1000x128xf32>
    %swap3A = arith.constant 0 : index
    %swap3A_6 = arith.constant 0 : index
    %swap3A_7 = vector.load %arg3[%swap3A, %swap3A_6] : memref<1000x128xf32, #tpu.memory_space<vmem>>, vector<1000x128xf32>
    tpu.vector_store %arg3[%swap3A, %swap3A_6], %dot_general3A_5 {strides = array<i32>} : memref<1000x128xf32, #tpu.memory_space<vmem>>, vector<1000x128xf32>,
    return
  }
  func.func @transform_0(%arg0: i32) -> (i32, i32) {
    %c0_i32 = arith.constant 0 : i32
    %c0_i32_0 = arith.constant 0 : i32
    return %arg0, %c0_i32 : i32, i32
  }
  func.func @transform_1(%arg0: i32) -> (i32, i32) {
    %c0_i32 = arith.constant 0 : i32
    %c0_i32_0 = arith.constant 0 : i32
    %c0_i32_1 = arith.constant 0 : i32
    return %c0_i32, %c0_i32_0 : i32, i32
  }
  func.func @transform_2(%arg0: i32) -> (i32, i32) {
    %c0_i32 = arith.constant 0 : i32
    %c0_i32_0 = arith.constant 0 : i32
    return %arg0, %c0_i32 : i32, i32
  }
}

module attributes {stable_mosaic.version = 14 : i64} {
  func.func @_scale_body(%arg0: i32, %arg1: memref<1000x128xf32, #tpu.memory_space<vmem>>, %arg2: memref<2x1000x128xf32, #tpu.memory_space<vmem>>, %arg3: memref<1000x128xf32, #tpu.memory_space<vmem>>) attributes {dimension_semantics = [#tpu.dimension_semantics<arbitrary>], iteration_bounds = array<i64: 10>, scalar_prefetch = 0 : i64, scratch_operands = 0 : i64, tpu.core_type = #tpu.core_type<tc>, window_params = [{transform_indices = @transform_0, window_bounds = array<i64: 1000, 128>}, {transform_indices = @transform_1, window_bounds = array<i64: 2, 1000, 128>}, {transform_indices = @transform_2, window_bounds = array<i64: 1000, 128>}]} {
    %get3A = arith.constant 0 : index
    %get3A_0 = arith.constant 0 : index
    %get3A_1 = arith.constant 0 : index
    %get3A_2 = vector.load %arg2[%get3A, %get3A_0, %get3A_1] : memref<2x1000x128xf32, #tpu.memory_space<vmem>>, vector<1x1000x128xf32>
    %get3A_3 = vector.shape_cast %get3A_2 : vector<1x1000x128xf32> to vector<1000x128xf32>
    %get3A_4 = arith.constant 1 : index
    %get3A_5 = arith.constant 0 : index
    %get3A_6 = arith.constant 0 : index
    %get3A_7 = vector.load %arg2[%get3A_4, %get3A_5, %get3A_6] : memref<2x1000x128xf32, #tpu.memory_space<vmem>>, vector<1x1000x128xf32>
    %get3A_8 = vector.shape_cast %get3A_7 : vector<1x1000x128xf32> to vector<1000x128xf32>
    %add3A = arith.addf %get3A_3, %get3A_8 : vector<1000x128xf32>
    %add3A_9 = arith.constant 1.000000e+00 : f32
    %add3A_10 = vector.broadcast %add3A_9 : f32 to vector<1000x128xf32>
    %add3A_11 = arith.addf %add3A, %add3A_10 : vector<1000x128xf32>
    %rsqrt3A = math.rsqrt %add3A_11 : vector<1000x128xf32>
    %get3A_12 = arith.constant 0 : index
    %get3A_13 = arith.constant 0 : index
    %get3A_14 = vector.load %arg1[%get3A_12, %get3A_13] : memref<1000x128xf32, #tpu.memory_space<vmem>>, vector<1000x128xf32>
    %mul3A = arith.mulf %rsqrt3A, %get3A_14 : vector<1000x128xf32>
    %swap3A = arith.constant 0 : index
    %swap3A_15 = arith.constant 0 : index
    %swap3A_16 = vector.load %arg3[%swap3A, %swap3A_15] : memref<1000x128xf32, #tpu.memory_space<vmem>>, vector<1000x128xf32>
    tpu.vector_store %arg3[%swap3A, %swap3A_15], %mul3A {strides = array<i32>} : memref<1000x128xf32, #tpu.memory_space<vmem>>, vector<1000x128xf32>,
    return
  }
  func.func @transform_0(%arg0: i32) -> (i32, i32) {
    %c0_i32 = arith.constant 0 : i32
    %c0_i32_0 = arith.constant 0 : i32
    return %arg0, %c0_i32 : i32, i32
  }
  func.func @transform_1(%arg0: i32) -> (i32, i32, i32) {
    %c0_i32 = arith.constant 0 : i32
    %c0_i32_0 = arith.constant 0 : i32
    %c0_i32_1 = arith.constant 0 : i32
    return %c0_i32, %arg0, %c0_i32_0 : i32, i32, i32
  }
  func.func @transform_2(%arg0: i32) -> (i32, i32) {
    %c0_i32 = arith.constant 0 : i32
    %c0_i32_0 = arith.constant 0 : i32
    return %arg0, %c0_i32 : i32, i32
  }
}

module attributes {stable_mosaic.version = 14 : i64} {
  func.func @_combine_body(%arg0: i32, %arg1: memref<2x1000x128xf32, #tpu.memory_space<vmem>>, %arg2: memref<1000x128xf32, #tpu.memory_space<vmem>>, %arg3: memref<2x1000x128xf32, #tpu.memory_space<vmem>>, %arg4: memref<1000x128xf32, #tpu.memory_space<vmem>>) attributes {dimension_semantics = [#tpu.dimension_semantics<arbitrary>], iteration_bounds = array<i64: 10>, scalar_prefetch = 0 : i64, scratch_operands = 0 : i64, tpu.core_type = #tpu.core_type<tc>, window_params = [{transform_indices = @transform_0, window_bounds = array<i64: 2, 1000, 128>}, {transform_indices = @transform_1, window_bounds = array<i64: 1000, 128>}, {transform_indices = @transform_2, window_bounds = array<i64: 2, 1000, 128>}, {transform_indices = @transform_3, window_bounds = array<i64: 1000, 128>}]} {
    %get3A = arith.constant 0 : index
    %get3A_0 = arith.constant 0 : index
    %get3A_1 = arith.constant 0 : index
    %get3A_2 = vector.load %arg3[%get3A, %get3A_0, %get3A_1] : memref<2x1000x128xf32, #tpu.memory_space<vmem>>, vector<1x1000x128xf32>
    %get3A_3 = vector.shape_cast %get3A_2 : vector<1x1000x128xf32> to vector<1000x128xf32>
    %get3A_4 = arith.constant 1 : index
    %get3A_5 = arith.constant 0 : index
    %get3A_6 = arith.constant 0 : index
    %get3A_7 = vector.load %arg3[%get3A_4, %get3A_5, %get3A_6] : memref<2x1000x128xf32, #tpu.memory_space<vmem>>, vector<1x1000x128xf32>
    %get3A_8 = vector.shape_cast %get3A_7 : vector<1x1000x128xf32> to vector<1000x128xf32>
    %add3A = arith.addf %get3A_3, %get3A_8 : vector<1000x128xf32>
    %add3A_9 = arith.constant 1.000000e+00 : f32
    %add3A_10 = vector.broadcast %add3A_9 : f32 to vector<1000x128xf32>
    %add3A_11 = arith.addf %add3A, %add3A_10 : vector<1000x128xf32>
    %rsqrt3A = math.rsqrt %add3A_11 : vector<1000x128xf32>
    %get3A_12 = arith.constant 0 : index
    %get3A_13 = arith.constant 0 : index
    %get3A_14 = arith.constant 0 : index
    %get3A_15 = vector.load %arg1[%get3A_12, %get3A_13, %get3A_14] : memref<2x1000x128xf32, #tpu.memory_space<vmem>>, vector<1x1000x128xf32>
    %get3A_16 = vector.shape_cast %get3A_15 : vector<1x1000x128xf32> to vector<1000x128xf32>
    %get3A_17 = arith.constant 1 : index
    %get3A_18 = arith.constant 0 : index
    %get3A_19 = arith.constant 0 : index
    %get3A_20 = vector.load %arg1[%get3A_17, %get3A_18, %get3A_19] : memref<2x1000x128xf32, #tpu.memory_space<vmem>>, vector<1x1000x128xf32>
    %get3A_21 = vector.shape_cast %get3A_20 : vector<1x1000x128xf32> to vector<1000x128xf32>
    %add3A_22 = arith.addf %get3A_16, %get3A_21 : vector<1000x128xf32>
    %get3A_23 = arith.constant 0 : index
    %get3A_24 = arith.constant 0 : index
    %get3A_25 = vector.load %arg2[%get3A_23, %get3A_24] : memref<1000x128xf32, #tpu.memory_space<vmem>>, vector<1000x128xf32>
    %add3A_26 = arith.addf %add3A_22, %get3A_25 : vector<1000x128xf32>
    %mul3A = arith.mulf %rsqrt3A, %add3A_26 : vector<1000x128xf32>
    %swap3A = arith.constant 0 : index
    %swap3A_27 = arith.constant 0 : index
    %swap3A_28 = vector.load %arg4[%swap3A, %swap3A_27] : memref<1000x128xf32, #tpu.memory_space<vmem>>, vector<1000x128xf32>
    tpu.vector_store %arg4[%swap3A, %swap3A_27], %mul3A {strides = array<i32>} : memref<1000x128xf32, #tpu.memory_space<vmem>>, vector<1000x128xf32>,
    return
  }
  func.func @transform_0(%arg0: i32) -> (i32, i32, i32) {
    %c0_i32 = arith.constant 0 : i32
    %c0_i32_0 = arith.constant 0 : i32
    %c0_i32_1 = arith.constant 0 : i32
    return %c0_i32, %arg0, %c0_i32_0 : i32, i32, i32
  }
  func.func @transform_1(%arg0: i32) -> (i32, i32) {
    %c0_i32 = arith.constant 0 : i32
    %c0_i32_0 = arith.constant 0 : i32
    return %arg0, %c0_i32 : i32, i32
  }
  func.func @transform_2(%arg0: i32) -> (i32, i32, i32) {
    %c0_i32 = arith.constant 0 : i32
    %c0_i32_0 = arith.constant 0 : i32
    %c0_i32_1 = arith.constant 0 : i32
    return %c0_i32, %arg0, %c0_i32_0 : i32, i32, i32
  }
  func.func @transform_3(%arg0: i32) -> (i32, i32) {
    %c0_i32 = arith.constant 0 : i32
    %c0_i32_0 = arith.constant 0 : i32
    return %arg0, %c0_i32 : i32, i32
  }
}

</mosaic_0001>

<sc_bundles>
// kernel: kernel.10.cloned.1.call-start
scs
__scs_entry_jumppad:
0x0: {  	(pc) =	sbr.rel $0x88, $3  }
0x1: {  	(tag) =	ssettag $0x0;
	lr =	simm.s32 $0x1  }
0x2: {  	[smem:$0x3F9E] =	sst lr;
	_ =	strace $0xD0000000  }
0x3: {  	_ = 	snop  }
0x4: {  	_ = 	snop  }
0x5: {  	_ = 	snop  }
0x6: {  	_ = 	snop  }
0x7: {  	_ = 	snop  }
__scs_overlays_trampoline_lowered:
0x8: {  	[smem:$0x3FAD] =	sst s0  }
0x9: {  	[smem:$0x3FAE] =	sst s1  }
0xa: {  	[smem:$0x3FAF] =	sst s2  }
0xb: {  	[smem:$0x3FB0] =	sst s3  }
0xc: {  	[smem:$0x3FB1] =	sst s4  }
0xd: {  	[smem:$0x3FB2] =	sst s5  }
0xe: {  	[smem:$0x3FB3] =	sst s6  }
0xf: {  	[smem:$0x3FB4] =	sst s7  }
0x10: {  	[smem:$0x3FB5] =	sst s8  }
0x11: {  	[smem:$0x3FB6] =	sst s9;
	s0 =	simm.s32 @!p0 $0x0  }
0x12: {  	s1 =	sld [smem:$0x3F9C];
	s0 =	simm.s32 @p0 $0x1  }
0x13: {  	[smem:$0x3FB7] =	sst s0;
	s0 =	simm.s32 @!p1 $0x0  }
0x14: {  	s2 =	sld [smem:$0x3F9B];
	s0 =	simm.s32 @p1 $0x1  }
0x15: {  	[smem:$0x3FB8] =	sst s0;
	s0 =	simm.s32 @!p2 $0x0  }
0x16: {  	s3 =	sld [smem:$0x3FDB];
	s0 =	simm.s32 @p2 $0x1  }
0x17: {  	s4 =	simm.s32 $0x1BF5;
	[smem:$0x3FBA] =	sst s0  }
0x18: {  	s0 =	sld [smem:$0x3F9D];
	_ =	swait.ge [sflag:s4], $0x0  }
0x19: {  	s7 =	sld [smem:$0x3F9E]  }
0x1a: {  	s8 =	sadd.s32 $0xFFFFE003, lr  }
0x1b: {  	s9 =	sadd.s32 $0xFFFFFEF7, lr;
	s5 =	simm.s32 $0xFFFFFFFF;
	p2 =	slt.u32 s8, $0xFFFFF086  }
0x1c: {  	p1 =	slt.u32 s9, $0xF7A;
	s5 =	simm.s32 @!p2 $0x0  }
0x1d: {  	s5 =	simm.s32 @p1 $0x1;
	p0 =	seq.s32 s7, s2  }
0x1e: {  	s7 =	smul.u32 @!p0 $0xF7A, s2;
	p2 =	seq.s32 @!p0 s5, $0x0  }
0x1f: {  	s9 =	smul.u32 $0xF7A, s1;
	s8 =	simm.s32 @!p0 $0x1BF5;
	p2 =	por !p2, p0  }
0x20: {  	[sflag:s8] =	ssyncset.s32 @!p0 $0xFFFFF086;
	s6 =	sadd.s32 @!p0 s3, s7;
	s7 =	simm.s32 @!p0 $0x108  }
0x21: {  	s3 =	sadd.s32 s3, s9;
	s6 =	sadd.s32 @!p0 $0x88, s6;
	s7 =	simm.s32 @p2 $0x1082  }
0x22: {  	[simem:s7], [sflag:s8] =	dma.local @!p0 [hbm:s6], $0xF7A  }
0x23: {  	s9 =	sor.u32 $0xD0000000, s2;
	s6 =	simm.s32 $0x108;
	_ =	swait.ge @!p0 [sflag:s8], $0x0  }
0x24: {  	s3 =	sadd.s32 $0x88, s3;
	s6 =	simm.s32 @!p1 $0x1082;
	[sflag:s4] =	ssyncset.s32 $0xFFFFF086  }
0x25: {  	[simem:s6], [sflag:s4] =	dma.local [hbm:s3], $0xF7A  }
0x26: {  	[smem:$0x3F9E] =	sst s1;
	(tag) =	ssettag s2;
	_ =	strace s9  }
0x27: {  	s1 =	sld [smem:$0x3FAE]  }
0x28: {  	s2 =	sld [smem:$0x3FAF]  }
0x29: {  	s4 =	sld [smem:$0x3FB1]  }
0x2a: {  	p0 =	seq.s32 s5, $0x0;
	s5 =	sld [smem:$0x3FB2]  }
0x2b: {  	s6 =	sld [smem:$0x3FB3]  }
0x2c: {  	s7 =	sld [smem:$0x3FB4]  }
0x2d: {  	s3 =	simm.s32 $0x108;
	s8 =	sld [smem:$0x3FB5]  }
0x2e: {  	s3 =	simm.s32 @!p0 $0x1082;
	s9 =	sld [smem:$0x3FB6]  }
0x2f: {  	lr =	sadd.s32 s0, s3;
	s0 =	sld [smem:$0x3FAD]  }
0x30: {  	s3 =	sld [smem:$0x3FB0]  }
0x31: {  	[smem:$0x3FB9] =	sst s10  }
0x32: {  	s10 =	sld [smem:$0x3FB7];
	_ =	sdelay $0x3  }
0x33: {  	p0 =	seq.s32 s10, $0x1;
	s10 =	sld [smem:$0x3FB9];
	_ =	sdelay $0x3  }
0x34: {  	[smem:$0x3FB9] =	sst s10  }
0x35: {  	s10 =	sld [smem:$0x3FB8];
	_ =	sdelay $0x3  }
0x36: {  	p1 =	seq.s32 s10, $0x1;
	s10 =	sld [smem:$0x3FB9];
	_ =	sdelay $0x3  }
0x37: {  	[smem:$0x3FB9] =	sst s10  }
0x38: {  	s10 =	sld [smem:$0x3FBA]  }
0x39: {  	_ = 	snop;
	(pc) =	sbr.ind lr, $3  }
0x3a: {  	_ = 	snop  }
0x3b: {  	_ = 	snop  }
0x3c: {  	p2 =	seq.s32 s10, $0x1;
	s10 =	sld [smem:$0x3FB9]  }
0x3d: {  	_ =	shalt  }
0x3e: {  	_ =	shalt  }
0x3f: {  	_ =	shalt  }
0x40: {  	_ =	shalt  }
0x41: {  	_ =	shalt  }
0x42: {  	_ =	shalt  }
0x43: {  	_ =	shalt  }
0x44: {  	_ =	shalt  }
0x45: {  	_ =	shalt  }
0x46: {  	_ =	shalt  }
0x47: {  	_ =	shalt  }
0x48: {  	_ =	shalt  }
0x49: {  	_ =	shalt  }
0x4a: {  	_ =	shalt  }
0x4b: {  	_ =	shalt  }
0x4c: {  	_ =	shalt  }
0x4d: {  	_ =	shalt  }
0x4e: {  	_ =	shalt  }
0x4f: {  	_ =	shalt  }
0x50: {  	_ =	shalt  }
0x51: {  	_ =	shalt  }
0x52: {  	_ =	shalt  }
0x53: {  	_ =	shalt  }
0x54: {  	_ =	shalt  }
0x55: {  	_ =	shalt  }
0x56: {  	_ =	shalt  }
0x57: {  	_ =	shalt  }
0x58: {  	_ =	shalt  }
0x59: {  	_ =	shalt  }
0x5a: {  	_ =	shalt  }
0x5b: {  	_ =	shalt  }
0x5c: {  	_ =	shalt  }
0x5d: {  	_ =	shalt  }
0x5e: {  	_ =	shalt  }
0x5f: {  	_ =	shalt  }
0x60: {  	_ =	shalt  }
0x61: {  	_ =	shalt  }
0x62: {  	_ =	shalt  }
0x63: {  	_ =	shalt  }
0x64: {  	_ =	shalt  }
0x65: {  	_ =	shalt  }
0x66: {  	_ =	shalt  }
0x67: {  	_ =	shalt  }
0x68: {  	_ =	shalt  }
0x69: {  	_ =	shalt  }
0x6a: {  	_ =	shalt  }
0x6b: {  	_ =	shalt  }
0x6c: {  	_ =	shalt  }
0x6d: {  	_ =	shalt  }
0x6e: {  	_ =	shalt  }
0x6f: {  	_ =	shalt  }
0x70: {  	_ =	shalt  }
0x71: {  	_ =	shalt  }
0x72: {  	_ =	shalt  }
0x73: {  	_ =	shalt  }
0x74: {  	_ =	shalt  }
0x75: {  	_ =	shalt  }
0x76: {  	_ =	shalt  }
0x77: {  	_ =	shalt  }
0x78: {  	_ =	shalt  }
0x79: {  	_ =	shalt  }
0x7a: {  	_ =	shalt  }
0x7b: {  	_ =	shalt  }
0x7c: {  	_ =	shalt  }
0x7d: {  	_ =	shalt  }
0x7e: {  	_ =	shalt  }
0x7f: {  	_ =	shalt  }
0x80: {  	_ =	shalt  }
0x81: {  	_ =	shalt  }
0x82: {  	_ =	shalt  }
0x83: {  	_ =	shalt  }
0x84: {  	_ =	shalt  }
0x85: {  	_ =	shalt  }
0x86: {  	_ =	shalt  }
0x87: {  	_ =	shalt  }
.Lfunc_end0:
.L_simem_size_0:
called_computation.1_lowered:
.L_overlay_start_0:
0x88: {  	s2 =	sld [smem:$0x3FD9]  }
0x89: {  	s3 =	sld [smem:$0x3FFE];
	_ =	sdelay $0x1  }
0x8a: {  	s1 =	srdreg.scid  }
0x8b: {  	s0 =	sand.u32 $0x1, s1  }
0x8c: {  	s17 =	sshll.u32 s0, $0xA;
	s2 =	sadd.s32 s3, s2  }
0x8d: {  	s2 =	sadd.s32 s2, s17  }
0x8e: {  	[smem:$0x3FC5] =	sst s2  }
0x8f: {  	_ = 	snop  }
0x90: {  	s2 =	sld [smem:$0x3FD0];
	(tm) =	ssettm $0x1  }
0x91: {  	s18 =	sld [smem:$0x3FFB];
	_ =	sdelay $0x3  }
0x92: {  	_ =	strace s18  }
0x93: {  	s3 =	sld [smem:$0x3FFC];
	_ =	sdelay $0x3  }
0x94: {  	_ =	strace s3  }
0x95: {  	s3 =	sld [smem:$0x3FFD];
	_ =	sdelay $0x3  }
0x96: {  	_ =	strace s3  }
0x97: {  	_ =	strace $0x8FFFFFFF  }
0x98: {  	s19 =	sld [smem:$0x3FDB];
	_ =	sdelay $0x1  }
0x99: {  	s4 =	simm.s32 $_scs_section_size  }
0x9a: {  	s5 =	simm.s32 $_size__tile_overlayer_lowered;
	s6 =	simm.s32 $_tile_overlayer_lowered  }
0x9b: {  	s22 =	simm.s32 $0x1BFF;
	s21 =	sshll.u32 s6, $0x1;
	s3 =	sadd.s32 s4, s19  }
0x9c: {  	s7 =	simm.s32 $0x0;
	s20 =	sshll.u32 s5, $0x1;
	s5 =	sadd.s32 s21, s3  }
0x9d: {  	[timem:s7], [sflag:s22] =	dma.local [hbm:s5], s20  }
0x9e: {  	_ =	swait.ge [sflag:s22], s20  }
0x9f: {  	s4 =	ssub.s32 $0x0, s20;
	[sflag:s22] =	ssyncset.done $0x0  }
0xa0: {  	[sflag:s22] =	ssyncadd.s32 s4;
	_ =	sdelay $0x1  }
0xa1: {  	s23 =	simm.s32 $0x1B8B  }
0xa2: {  	_ =	swait.ge [sflag:s23], $0x1  }
0xa3: {  	[sflag:s23] =	ssyncset.done $0x0  }
0xa4: {  	s25 =	simm.s32 $0x1B8E;
	s24 =	sld [smem:$0x3FFE];
	[sflag:s23] =	ssyncadd.s32 $0xFFFFFFFF  }
0xa5: {  	s26 =	simm.s32 $execute0_lowered;
	[smem:$0x3FD2] =	sst s25  }
0xa6: {  	s5 =	sshll.u32 s26, $0x1;
	_ =	strace $0x80000049;
	[dreg:$0x1] =	wrdreg $0xFFFFFFFF  }
0xa7: {  	s28 =	simm.s32 $_size_execute0_lowered;
	s3 =	sadd.s32 s3, s5;
	[dreg:$0x0] =	wrdreg $0x0  }
0xa8: {  	s5 =	sshll.u32 s28, $0x1;
	[dreg:$0x2] =	wrdreg s3  }
0xa9: {  	[dreg:$0x3] =	wrdreg s5  }
0xaa: {  	[dreg:$0x4] =	wrdreg $0xC0  }
0xab: {  	_ =	task [dreg:s7], $0x5FFFF  }
0xac: {  	[dreg:$0x1] =	wrdreg $0xFFFFFFFF  }
0xad: {  	[dreg:$0x0] =	wrdreg $0x60  }
0xae: {  	[dreg:$0x2] =	wrdreg s24  }
0xaf: {  	[dreg:$0x3] =	wrdreg s2  }
0xb0: {  	[dreg:$0x4] =	wrdreg $0x82000  }
0xb1: {  	[dreg:$0x5] =	wrdreg $0x9  }
0xb2: {  	_ =	task.clear_ibuf [dreg:s7], $0x6FFFF;
	_ =	strace $0x90000049  }
0xb3: {  	s29 =	simm.s32 $0x9;
	_ =	strace $0x8000004B  }
0xb4: {  	_ =	swait.ge [sflag:s29], $0x1  }
0xb5: {  	[sflag:s29] =	ssyncadd.s32 $0xFFFFFFFF  }
0xb6: {  	_ =	strace $0x9000004B  }
0xb7: {  	_ =	sfence  }
0xb8: {  	s30 =	sld [smem:$0x0];
	_ =	sdelay $0x2  }
0xb9: {  	s31 =	sshll.u32 s1, $0xD;
	s1 =	sshrl.u32 s1, $0x2  }
0xba: {  	s3 =	sand.u32 $0x4000, s31;
	s1 =	sadd.s32 s1, s30  }
0xbb: {  	s0 =	sor.u32 s3, s0;
	s1 =	sshll.u32 s1, $0x11  }
0xbc: {  	s0 =	sor.u32 s1, s0  }
0xbd: {  	s0 =	sadd.s32 $0x8F2B, s0  }
0xbe: {  	[sflag:s0] =	ssyncadd.remote.s32 $0x1  }
0xbf: {  	_ =	sfence.sel $0xFFFF  }
0xc0: {  	[dreg:$0x0] =	wrdreg $0xFFFFFFFF;
	(pc) =	sbr.abs _section_cstart, $3  }
0xc1: {  	[dreg:$0x1] =	wrdreg $0xFFFFFFFF  }
0xc2: {  	_ =	task.clear_ibuf [dreg:s7], $0x2FFFF;
	_ =	strace $0x9FFFFFFF  }
0xc3: {  	(tm) =	ssettm $0x7FFFFFFF  }
tec
execute0_lowered:
.L_overlay_start_1:
0x0: {  	(tag) =	ssettag $0x1  }
0x1: {  	s0 =	rddreg [dreg:$0x0]  }
0x2: {  	s1 =	rddreg [dreg:$0x1]  }
0x3: {  	s3 =	rddreg [dreg:$0x2]  }
0x4: {  	s4 =	simm.s32 $0x0;
	s12 =	stileid.u32;
	s2 =	srdreg.scid  }
0x5: {  	s28 =	simm.s32 $0x100;
	s29 =	simm.s32 $0x180;
	s30 =	simm.s32 $0x2  }
0x6: {  	s31 =	simm.s32 $0x4200;
	[smem:$0x7FF] =	sst s4;
	s5 =	smul.u32 $0x4F000, s12  }
0x7: {  	s6 =	sadd.s32 $0x1400, s0;
	s7 =	sadd.s32 $0xB400, s0;
	s10 =	smul.u32 $0xA0, s12  }
0x8: {  	s2 =	sand.u32 $0x1, s2;
	s23 =	sadd.s32 $0x12C400, s3;
	s25 =	sadd.s32 $0x130400, s3  }
0x9: {  	s0 =	sadd.s32 $0x63600, s0;
	s18 =	smul.u32 $0x13C00, s12;
	s13 =	sadd.s32 $0x134400, s3  }
0xa: {  	s14 =	sadd.s32 $0x138400, s3;
	p0 =	seq.s32 s12, $0xF;
	s11 =	smul.u32 $0x50, s2  }
0xb: {  	_ =	strace $0x8000004A;
	[dreg:$0x7] =	wrdreg s23;
	s17 =	smul.u32 $0x138800, s2  }
0xc: {  	s8 =	ssub.s32 $0x2, s2;
	[dreg:$0x9] =	wrdreg s25;
	s2 =	smul.u32 $0x500, s2  }
0xd: {  	s25 =	simm.s32 $0x1;
	s5 =	sshrl.u32 s5, $0x2;
	s9 =	sshrl.u32 s8, $0x1  }
0xe: {  	s5 =	sadd.s32 s5, s3;
	s8 =	ssub.s32 s8, s9;
	s9 =	sadd.s32 $0x128400, s3  }
0xf: {  	s10 =	sadd.s32 s11, s10;
	s18 =	sadd.s32 s18, s17;
	s20 =	sadd.s32 $0x4000, s5  }
0x10: {  	s19 =	sshrl.u32 s17, $0x3;
	s21 =	sadd.s32 $0x8000, s5;
	[dreg:$0x4] =	wrdreg s20  }
0x11: {  	s22 =	sadd.s32 $0xC000, s5;
	s24 =	sadd.s32 $0x10000, s5;
	[dreg:$0x5] =	wrdreg s21  }
0x12: {  	s10 =	sshll.u32 s10, $0x4;
	s18 =	sshrl.u32 s18, $0x3;
	[dreg:$0x6] =	wrdreg s22  }
0x13: {  	[dreg:$0x8] =	wrdreg s24;
	s15 =	sadd.s32 s6, s10;
	s16 =	sadd.s32 s7, s10  }
0x14: {  	s10 =	sor.u32 $0x10, s10;
	s17 =	sadd.s32 s0, s18;
	s0 =	sadd.s32 s0, s19  }
0x15: {  	s21 =	smul.u32 $0xA00, s12;
	s24 =	simm.s32 $0x80;
	s18 =	sadd.s32 s6, s10  }
0x16: {  	s19 =	sadd.s32 s7, s10;
	s20 =	sadd.s32 $0x25080, s0;
	s0 =	simm.s32 $0x3  }
0x17: {  	s26 =	sadd.s32 s21, s7;
	s6 =	sadd.s32 s21, s6;
	s21 =	smax.u32 s8, $0x1  }
0x18: {  	s7 =	simm.s32 $0x0;
	s22 =	sadd.s32 s2, s26;
	s23 =	sadd.s32 s2, s6  }
0x19: {  	v0 =	vimm.f32 $0.0e+00;
	s26 =	simm.s32 $0x200;
	s2 =	simm.s32 $0x5;
	s6 =	simm.s32 $0x4  }
.LBB2_1:
0x1a: {  	s8 =	simm.s32 $0x0;
	s10 =	simm.s32 $0x200  }
.LBB2_2:
0x1b: {  	p1 =	sne.s32 s10, $0xFE00;
	[tilespmem:s8+$0x270] =	vst v0  }
0x1c: {  	[tilespmem:s8+$0x200] =	vst v0  }
0x1d: {  	[tilespmem:s8+$0x210] =	vst v0  }
.Ltmp0:
0x1e: {  	[tilespmem:s8+$0x220] =	vst v0;
	(pc) =	sbr.rel @p1 .LBB2_2-.Ltmp0, $4  }
0x1f: {  	[tilespmem:s8+$0x230] =	vst v0  }
0x20: {  	[tilespmem:s8+$0x240] =	vst v0  }
0x21: {  	[tilespmem:s8+$0x250] =	vst v0  }
0x22: {  	[tilespmem:s8+$0x260] =	vst v0;
	s8 =	sshra.s32 s10, $0x2;
	s10 =	sadd.s32 $0x200, s10  }
0x23: {  	[tilespmem:s8+$0x270] =	vst v0  }
0x24: {  	[tilespmem:s8+$0x200] =	vst v0  }
0x25: {  	[tilespmem:s8+$0x210] =	vst v0  }
0x26: {  	[tilespmem:s8+$0x220] =	vst v0  }
0x27: {  	[tilespmem:s8+$0x230] =	vst v0  }
0x28: {  	[tilespmem:s8+$0x240] =	vst v0  }
0x29: {  	[tilespmem:s8+$0x250] =	vst v0  }
0x2a: {  	[tilespmem:s8+$0x260] =	vst v0;
	s8 =	simm.s32 @p0 $0x200;
	s10 =	simm.s32 @p0 $0x5  }
0x2b: {  	[spmem:s9] =	stream.linear.scatter @p0 [tilespmem:s8], [sflag:$0x5], $0x4000, $0x38;
	[tilespmem:$0x1BB00] =	vst v63  }
0x2c: {  	_ =	swait.ge @p0 [sflag:s10], $0x4000  }
0x2d: {  	[sflag:s10] =	ssyncset.done @p0 $0x0  }
0x2e: {  	s11 =	rddreg [dreg:$0x7];
	[sflag:s10] =	ssyncadd.s32 @p0 $0xFFFFC000  }
0x2f: {  	[spmem:s11] =	stream.linear.scatter @p0 [tilespmem:s8], [sflag:$0x5], $0x4000, $0x38;
	[tilespmem:$0x1BB00] =	vst v63  }
0x30: {  	_ =	swait.ge @p0 [sflag:s10], $0x4000  }
0x31: {  	[sflag:s10] =	ssyncset.done @p0 $0x0  }
0x32: {  	s11 =	rddreg [dreg:$0x9];
	[sflag:s10] =	ssyncadd.s32 @p0 $0xFFFFC000  }
0x33: {  	[spmem:s11] =	stream.linear.scatter @p0 [tilespmem:s8], [sflag:$0x5], $0x4000, $0x38;
	[tilespmem:$0x1BB00] =	vst v63  }
0x34: {  	_ =	swait.ge @p0 [sflag:s10], $0x4000  }
0x35: {  	[sflag:s10] =	ssyncset.done @p0 $0x0  }
0x36: {  	[sflag:s10] =	ssyncadd.s32 @p0 $0xFFFFC000  }
0x37: {  	[spmem:s13] =	stream.linear.scatter @p0 [tilespmem:s8], [sflag:$0x5], $0x4000, $0x38;
	[tilespmem:$0x1BB00] =	vst v63  }
0x38: {  	_ =	swait.ge @p0 [sflag:s10], $0x4000  }
0x39: {  	[sflag:s10] =	ssyncset.done @p0 $0x0  }
0x3a: {  	[sflag:s10] =	ssyncadd.s32 @p0 $0xFFFFC000  }
0x3b: {  	[spmem:s14] =	stream.linear.scatter @p0 [tilespmem:s8], [sflag:$0x5], $0xC00, $0x38;
	[tilespmem:$0x1BB00] =	vst v63  }
0x3c: {  	_ =	swait.ge @p0 [sflag:s10], $0xC00  }
0x3d: {  	[sflag:s10] =	ssyncset.done @p0 $0x0  }
0x3e: {  	s8 =	simm.s32 @!p0 $0x200;
	[sflag:s10] =	ssyncadd.s32 @p0 $0xFFFFF400;
	s10 =	simm.s32 @!p0 $0x5  }
0x3f: {  	[spmem:s5] =	stream.linear.scatter @!p0 [tilespmem:s8], [sflag:$0x5], $0x4000, $0x38;
	[tilespmem:$0x1BB00] =	vst v63  }
0x40: {  	_ =	swait.ge @!p0 [sflag:s10], $0x4000  }
0x41: {  	[sflag:s10] =	ssyncset.done @!p0 $0x0  }
0x42: {  	s11 =	rddreg [dreg:$0x4];
	[sflag:s10] =	ssyncadd.s32 @!p0 $0xFFFFC000  }
0x43: {  	[spmem:s11] =	stream.linear.scatter @!p0 [tilespmem:s8], [sflag:$0x5], $0x4000, $0x38;
	[tilespmem:$0x1BB00] =	vst v63  }
0x44: {  	_ =	swait.ge @!p0 [sflag:s10], $0x4000  }
0x45: {  	[sflag:s10] =	ssyncset.done @!p0 $0x0  }
0x46: {  	s11 =	rddreg [dreg:$0x5];
	[sflag:s10] =	ssyncadd.s32 @!p0 $0xFFFFC000  }
0x47: {  	[spmem:s11] =	stream.linear.scatter @!p0 [tilespmem:s8], [sflag:$0x5], $0x4000, $0x38;
	[tilespmem:$0x1BB00] =	vst v63  }
0x48: {  	_ =	swait.ge @!p0 [sflag:s10], $0x4000  }
0x49: {  	[sflag:s10] =	ssyncset.done @!p0 $0x0  }
0x4a: {  	s11 =	rddreg [dreg:$0x6];
	[sflag:s10] =	ssyncadd.s32 @!p0 $0xFFFFC000  }
0x4b: {  	[spmem:s11] =	stream.linear.scatter @!p0 [tilespmem:s8], [sflag:$0x5], $0x4000, $0x38;
	[tilespmem:$0x1BB00] =	vst v63  }
0x4c: {  	_ =	swait.ge @!p0 [sflag:s10], $0x4000  }
0x4d: {  	[sflag:s10] =	ssyncset.done @!p0 $0x0  }
0x4e: {  	s11 =	rddreg [dreg:$0x8];
	[sflag:s10] =	ssyncadd.s32 @!p0 $0xFFFFC000  }
0x4f: {  	[spmem:s11] =	stream.linear.scatter @!p0 [tilespmem:s8], [sflag:$0x5], $0x3C00, $0x38;
	[tilespmem:$0x1BB00] =	vst v63  }
0x50: {  	_ =	swait.ge @!p0 [sflag:s10], $0x3C00  }
0x51: {  	[sflag:s10] =	ssyncset.done @!p0 $0x0  }
0x52: {  	[sflag:s10] =	ssyncadd.s32 @!p0 $0xFFFFC400  }
0x53: {  	s11 =	simm.s32 $0x0;
	[bflag:$0x0] =	sbarrier.arrive $0xFFFF  }
0x54: {  	[tilespmem:s11], [sflag:$0x1] =	stream.linear.gather [hbm4b:s15+s11], $0x80, $0x38;
	[tilespmem:$0x1BB00] =	vst v63  }
0x55: {  	_ = 	snop  }
0x56: {  	[tilespmem:s24], [sflag:$0x1] =	stream.linear.gather [hbm4b:s16+s11], $0x80, $0x38;
	[tilespmem:$0x1BB00] =	vst v63  }
0x57: {  	_ =	swait.ge [sflag:s25], $0x80  }
0x58: {  	[sflag:s25] =	ssyncset.done $0x0  }
0x59: {  	[sflag:s25] =	ssyncadd.s32 $0xFFFFFF80  }
0x5a: {  	_ =	swait.ge [sflag:s25], $0x80  }
0x5b: {  	[sflag:s25] =	ssyncset.done $0x0  }
0x5c: {  	[sflag:s25] =	ssyncadd.s32 $0xFFFFFF80  }
0x5d: {  	[tilespmem:s26], [sflag:$0x3] =	stream.indirect.gather [hbm4b:s1+s24], $0x80, s11, s24, $0xb8;
	[tilespmem:$0x1BB00] =	vst v63  }
0x5e: {  	_ = 	snop  }
0x5f: {  	[tilespmem:s28], [sflag:$0x2] =	stream.linear.gather [hbm4b:s18+s11], $0x80, $0x38;
	[tilespmem:$0x1BB00] =	vst v63  }
0x60: {  	_ = 	snop  }
0x61: {  	[tilespmem:s29], [sflag:$0x2] =	stream.linear.gather [hbm4b:s19+s11], $0x80, $0x38;
	[tilespmem:$0x1BB00] =	vst v63  }
0x62: {  	_ =	swait.ge [sflag:s30], $0x80  }
0x63: {  	[sflag:s30] =	ssyncset.done $0x0  }
0x64: {  	[sflag:s30] =	ssyncadd.s32 $0xFFFFFF80  }
0x65: {  	_ =	swait.ge [sflag:s30], $0x80  }
0x66: {  	[sflag:s30] =	ssyncset.done $0x0  }
0x67: {  	[sflag:s30] =	ssyncadd.s32 $0xFFFFFF80  }
0x68: {  	[tilespmem:s31], [sflag:$0x4] =	stream.indirect.gather [hbm4b:s1+s24], $0x80, s28, s24, $0xb8;
	[tilespmem:$0x1BB00] =	vst v63  }
0x69: {  	_ =	swait.ge [sflag:s0], $0x4000  }
0x6a: {  	[sflag:s0] =	ssyncset.done $0x0  }
0x6b: {  	[sflag:s0] =	ssyncadd.s32 $0xFFFFC000  }
0x6c: {  	[spmem:s3] =	stream.indirect.scatter.add.f32 [tilespmem:s26], [sflag:$0x5], $0x80, s24, s24, $0xb8;
	[tilespmem:$0x1BB00] =	vst v63  }
0x6d: {  	_ =	swait.ge [sflag:s2], $0x4000  }
0x6e: {  	s8 =	sadd.s32 $0x0, s23;
	[sflag:s2] =	ssyncset.done $0x0  }
0x6f: {  	s12 =	sadd.s32 $0x20, s8;
	s11 =	sadd.s32 $0x0, s22;
	[sflag:s2] =	ssyncadd.s32 $0xFFFFC000  }
0x70: {  	[tilespmem:s4], [sflag:$0x1] =	stream.linear.gather [hbm4b:s12+s4], $0x80, $0x38;
	[tilespmem:$0x1BB00] =	vst v63  }
0x71: {  	s12 =	sadd.s32 $0x20, s11  }
0x72: {  	[tilespmem:s24], [sflag:$0x1] =	stream.linear.gather [hbm4b:s12+s4], $0x80, $0x38;
	[tilespmem:$0x1BB00] =	vst v63  }
0x73: {  	_ =	swait.ge [sflag:s6], $0x4000  }
0x74: {  	[sflag:s6] =	ssyncset.done $0x0  }
0x75: {  	[sflag:s6] =	ssyncadd.s32 $0xFFFFC000  }
0x76: {  	[spmem:s3] =	stream.indirect.scatter.add.f32 [tilespmem:s31], [sflag:$0x5], $0x80, s29, s24, $0xb8;
	[tilespmem:$0x1BB00] =	vst v63  }
0x77: {  	_ =	swait.ge [sflag:s2], $0x4000  }
0x78: {  	[sflag:s2] =	ssyncset.done $0x0  }
0x79: {  	[sflag:s2] =	ssyncadd.s32 $0xFFFFC000  }
0x7a: {  	_ =	swait.ge [sflag:s25], $0x80  }
0x7b: {  	[sflag:s25] =	ssyncset.done $0x0  }
0x7c: {  	[sflag:s25] =	ssyncadd.s32 $0xFFFFFF80  }
0x7d: {  	_ =	swait.ge [sflag:s25], $0x80  }
0x7e: {  	[sflag:s25] =	ssyncset.done $0x0  }
0x7f: {  	[sflag:s25] =	ssyncadd.s32 $0xFFFFFF80  }
0x80: {  	[tilespmem:s26], [sflag:$0x3] =	stream.indirect.gather [hbm4b:s1+s24], $0x80, s4, s24, $0xb8;
	[tilespmem:$0x1BB00] =	vst v63  }
0x81: {  	s8 =	sadd.s32 $0x30, s8  }
0x82: {  	[tilespmem:s28], [sflag:$0x2] =	stream.linear.gather [hbm4b:s8+s4], $0x80, $0x38;
	[tilespmem:$0x1BB00] =	vst v63  }
0x83: {  	s10 =	sadd.s32 $0x30, s11;
	s8 =	simm.s32 $0x20  }
.LBB2_4:
0x84: {  	[tilespmem:s29], [sflag:$0x2] =	stream.linear.gather [hbm4b:s10+s4], $0x80, $0x38;
	[tilespmem:$0x1BB00] =	vst v63  }
0x85: {  	s10 =	smov.u32 s8  }
0x86: {  	p1 =	sne.s32 s8, $0x4C0;
	s8 =	sadd.s32 $0x20, s8;
	_ =	swait.ge [sflag:s30], $0x80  }
0x87: {  	[sflag:s30] =	ssyncset.done $0x0  }
0x88: {  	[sflag:s30] =	ssyncadd.s32 $0xFFFFFF80  }
0x89: {  	_ =	swait.ge [sflag:s30], $0x80  }
0x8a: {  	[sflag:s30] =	ssyncset.done $0x0  }
0x8b: {  	[sflag:s30] =	ssyncadd.s32 $0xFFFFFF80  }
0x8c: {  	[tilespmem:s31], [sflag:$0x4] =	stream.indirect.gather [hbm4b:s1+s24], $0x80, s28, s24, $0xb8;
	[tilespmem:$0x1BB00] =	vst v63  }
0x8d: {  	_ =	swait.ge [sflag:s0], $0x4000  }
0x8e: {  	[sflag:s0] =	ssyncset.done $0x0  }
0x8f: {  	[sflag:s0] =	ssyncadd.s32 $0xFFFFC000  }
0x90: {  	[spmem:s3] =	stream.indirect.scatter.add.f32 [tilespmem:s26], [sflag:$0x5], $0x80, s24, s24, $0xb8;
	[tilespmem:$0x1BB00] =	vst v63  }
0x91: {  	_ =	swait.ge [sflag:s2], $0x4000  }
0x92: {  	s11 =	sadd.s32 s10, s23;
	[sflag:s2] =	ssyncset.done $0x0  }
0x93: {  	s10 =	sadd.s32 s10, s22;
	s12 =	sadd.s32 $0x20, s11;
	[sflag:s2] =	ssyncadd.s32 $0xFFFFC000  }
0x94: {  	[tilespmem:s4], [sflag:$0x1] =	stream.linear.gather [hbm4b:s12+s4], $0x80, $0x38;
	[tilespmem:$0x1BB00] =	vst v63  }
0x95: {  	s12 =	sadd.s32 $0x20, s10  }
0x96: {  	[tilespmem:s24], [sflag:$0x1] =	stream.linear.gather [hbm4b:s12+s4], $0x80, $0x38;
	[tilespmem:$0x1BB00] =	vst v63  }
0x97: {  	_ =	swait.ge [sflag:s6], $0x4000  }
0x98: {  	[sflag:s6] =	ssyncset.done $0x0  }
0x99: {  	[sflag:s6] =	ssyncadd.s32 $0xFFFFC000  }
0x9a: {  	[spmem:s3] =	stream.indirect.scatter.add.f32 [tilespmem:s31], [sflag:$0x5], $0x80, s29, s24, $0xb8;
	[tilespmem:$0x1BB00] =	vst v63  }
0x9b: {  	_ =	swait.ge [sflag:s2], $0x4000  }
0x9c: {  	[sflag:s2] =	ssyncset.done $0x0  }
0x9d: {  	[sflag:s2] =	ssyncadd.s32 $0xFFFFC000  }
0x9e: {  	_ =	swait.ge [sflag:s25], $0x80  }
0x9f: {  	[sflag:s25] =	ssyncset.done $0x0  }
0xa0: {  	[sflag:s25] =	ssyncadd.s32 $0xFFFFFF80  }
0xa1: {  	_ =	swait.ge [sflag:s25], $0x80  }
0xa2: {  	[sflag:s25] =	ssyncset.done $0x0  }
.Ltmp1:
0xa3: {  	[sflag:s25] =	ssyncadd.s32 $0xFFFFFF80;
	(pc) =	sbr.rel @p1 .LBB2_4-.Ltmp1, $4  }
0xa4: {  	[tilespmem:s26], [sflag:$0x3] =	stream.indirect.gather [hbm4b:s1+s24], $0x80, s4, s24, $0xb8;
	[tilespmem:$0x1BB00] =	vst v63  }
0xa5: {  	s11 =	sadd.s32 $0x30, s11  }
0xa6: {  	[tilespmem:s28], [sflag:$0x2] =	stream.linear.gather [hbm4b:s11+s4], $0x80, $0x38;
	[tilespmem:$0x1BB00] =	vst v63  }
0xa7: {  	s10 =	sadd.s32 $0x30, s10  }
0xa8: {  	[tilespmem:s29], [sflag:$0x2] =	stream.linear.gather [hbm4b:s10+s4], $0x80, $0x38;
	[tilespmem:$0x1BB00] =	vst v63  }
0xa9: {  	_ =	swait.ge [sflag:s30], $0x80  }
0xaa: {  	[sflag:s30] =	ssyncset.done $0x0  }
0xab: {  	[sflag:s30] =	ssyncadd.s32 $0xFFFFFF80  }
0xac: {  	_ =	swait.ge [sflag:s30], $0x80  }
0xad: {  	[sflag:s30] =	ssyncset.done $0x0  }
0xae: {  	[sflag:s30] =	ssyncadd.s32 $0xFFFFFF80  }
0xaf: {  	[tilespmem:s31], [sflag:$0x4] =	stream.indirect.gather [hbm4b:s1+s24], $0x80, s28, s24, $0xb8;
	[tilespmem:$0x1BB00] =	vst v63  }
0xb0: {  	_ =	swait.ge [sflag:s0], $0x4000  }
0xb1: {  	[sflag:s0] =	ssyncset.done $0x0  }
0xb2: {  	[sflag:s0] =	ssyncadd.s32 $0xFFFFC000  }
0xb3: {  	[spmem:s3] =	stream.indirect.scatter.add.f32 [tilespmem:s26], [sflag:$0x5], $0x80, s24, s24, $0xb8;
	[tilespmem:$0x1BB00] =	vst v63  }
0xb4: {  	_ =	swait.ge [sflag:s2], $0x4000  }
0xb5: {  	[sflag:s2] =	ssyncset.done $0x0  }
0xb6: {  	[sflag:s2] =	ssyncadd.s32 $0xFFFFC000  }
0xb7: {  	_ =	swait.ge [sflag:s6], $0x4000  }
0xb8: {  	[sflag:s6] =	ssyncset.done $0x0  }
0xb9: {  	[sflag:s6] =	ssyncadd.s32 $0xFFFFC000  }
0xba: {  	[spmem:s3] =	stream.indirect.scatter.add.f32 [tilespmem:s31], [sflag:$0x5], $0x80, s29, s24, $0xb8;
	[tilespmem:$0x1BB00] =	vst v63  }
0xbb: {  	_ =	swait.ge [sflag:s2], $0x4000  }
0xbc: {  	[sflag:s2] =	ssyncset.done $0x0  }
0xbd: {  	[sflag:s2] =	ssyncadd.s32 $0xFFFFC000  }
0xbe: {  	s8 =	sshrl.u32 @p0 s9, $0x3;
	s10 =	simm.s32 @p0 $0x1FC5;
	[bflag:$0x0] =	sbarrier.arrive $0xFFFF  }
0xbf: {  	[hbm:s20], [sflag:s10] =	dma.local @p0 [spmem:s8], $0x2080  }
0xc0: {  	s8 =	simm.s32 @p0 $0x5  }
0xc1: {  	s7 =	sadd.s32 $0x1, s7;
	s10 =	stileid.u32;
	_ =	swait.ge @p0 [sflag:s8], $0x2080  }
0xc2: {  	p1 =	sne.s32 s7, s21;
	s10 =	sshll.u32 @!p0 s10, $0x6;
	[sflag:s8] =	ssyncset.done @p0 $0x0  }
0xc3: {  	[sflag:s8] =	ssyncadd.s32 @p0 $0xFFFFDF80;
	s8 =	sor.u32 @!p0 $0x1C05, s10;
	s10 =	sshrl.u32 @!p0 s5, $0x3  }
0xc4: {  	[hbm:s17], [sflag:s8] =	dma.local @!p0 [spmem:s10], $0x2780  }
.Ltmp2:
0xc5: {  	_ = 	snop;
	(pc) =	sbr.rel @p1 .LBB2_1-.Ltmp2, $4  }
0xc6: {  	s8 =	simm.s32 @!p0 $0x5  }
0xc7: {  	_ =	swait.ge @!p0 [sflag:s8], $0x2780  }
0xc8: {  	[sflag:s8] =	ssyncset.done @!p0 $0x0  }
0xc9: {  	[sflag:s8] =	ssyncadd.s32 @!p0 $0xFFFFD880  }
0xca: {  	_ =	sfence.sel $0x180000  }
0xcb: {  	[bflag:$0x0] =	sbarrier.arrive $0xFFFF  }
0xcc: {  	_ =	strace $0x9000004A  }
0xcd: {  	s0 =	stileid.u32;
	[bflag:$0x2] =	sbarrier.arrive $0xFFFF  }
0xce: {  	p0 =	sne.s32 s0, $0x0;
	s0 =	rddreg [dreg:$0x3]  }
0xcf: {  	s0 =	sadd.s32 @!p0 $0x100000, s0  }
0xd0: {  	[sflag:s0] =	ssyncadd.tile.s32 @!p0 $0x1;
	_ =	shalt  }
.Lfunc_end2:
_tile_overlayer_lowered:
.L_overlay_start_2:
0xd1: {  	(tag) =	ssettag $0x2  }
0xd2: {  	s0 =	rddreg [dreg:$0x0];
	s2 =	stileid.u32  }
0xd3: {  	s1 =	rddreg [dreg:$0x1];
	p0 =	sne.s32 s2, $0x0  }
0xd4: {  	s3 =	rddreg [dreg:$0x2];
	[bflag:$0x3] =	sbarrier.arrive $0xFFFF;
	s2 =	simm.s32 @!p0 $0x1C05  }
0xd5: {  	[timem:s3], [sflag:s2] =	dma.local @!p0 [hbm:s0], s1  }
0xd6: {  	s0 =	simm.s32 @!p0 $0x5  }
0xd7: {  	_ =	swait.ge @!p0 [sflag:s0], s1  }
0xd8: {  	s1 =	ssub.s32 @!p0 $0x0, s1;
	[sflag:s0] =	ssyncset.done @!p0 $0x0  }
0xd9: {  	[sflag:s0] =	ssyncadd.s32 @!p0 s1  }
0xda: {  	[bflag:$0x3] =	sbarrier.arrive $0xFFFF  }
0xdb: {  	_ =	shalt  }

// kernel: kernel.7.cloned.1.call-start
scs
__scs_entry_jumppad:
0x0: {  	(pc) =	sbr.rel $0x88, $3  }
0x1: {  	(tag) =	ssettag $0x0;
	lr =	simm.s32 $0x1  }
0x2: {  	[smem:$0x3F9E] =	sst lr;
	_ =	strace $0xD0000000  }
0x3: {  	_ = 	snop  }
0x4: {  	_ = 	snop  }
0x5: {  	_ = 	snop  }
0x6: {  	_ = 	snop  }
0x7: {  	_ = 	snop  }
__scs_overlays_trampoline_lowered:
0x8: {  	[smem:$0x3FAD] =	sst s0  }
0x9: {  	[smem:$0x3FAE] =	sst s1  }
0xa: {  	[smem:$0x3FAF] =	sst s2  }
0xb: {  	[smem:$0x3FB0] =	sst s3  }
0xc: {  	[smem:$0x3FB1] =	sst s4  }
0xd: {  	[smem:$0x3FB2] =	sst s5  }
0xe: {  	[smem:$0x3FB3] =	sst s6  }
0xf: {  	[smem:$0x3FB4] =	sst s7  }
0x10: {  	[smem:$0x3FB5] =	sst s8  }
0x11: {  	[smem:$0x3FB6] =	sst s9;
	s0 =	simm.s32 @!p0 $0x0  }
0x12: {  	s1 =	sld [smem:$0x3F9C];
	s0 =	simm.s32 @p0 $0x1  }
0x13: {  	[smem:$0x3FB7] =	sst s0;
	s0 =	simm.s32 @!p1 $0x0  }
0x14: {  	s2 =	sld [smem:$0x3F9B];
	s0 =	simm.s32 @p1 $0x1  }
0x15: {  	[smem:$0x3FB8] =	sst s0;
	s0 =	simm.s32 @!p2 $0x0  }
0x16: {  	s3 =	sld [smem:$0x3FDB];
	s0 =	simm.s32 @p2 $0x1  }
0x17: {  	s4 =	simm.s32 $0x1BF5;
	[smem:$0x3FBA] =	sst s0  }
0x18: {  	s0 =	sld [smem:$0x3F9D];
	_ =	swait.ge [sflag:s4], $0x0  }
0x19: {  	s7 =	sld [smem:$0x3F9E]  }
0x1a: {  	s8 =	sadd.s32 $0xFFFFE003, lr  }
0x1b: {  	s9 =	sadd.s32 $0xFFFFFEF7, lr;
	s5 =	simm.s32 $0xFFFFFFFF;
	p2 =	slt.u32 s8, $0xFFFFF086  }
0x1c: {  	p1 =	slt.u32 s9, $0xF7A;
	s5 =	simm.s32 @!p2 $0x0  }
0x1d: {  	s5 =	simm.s32 @p1 $0x1;
	p0 =	seq.s32 s7, s2  }
0x1e: {  	s7 =	smul.u32 @!p0 $0xF7A, s2;
	p2 =	seq.s32 @!p0 s5, $0x0  }
0x1f: {  	s9 =	smul.u32 $0xF7A, s1;
	s8 =	simm.s32 @!p0 $0x1BF5;
	p2 =	por !p2, p0  }
0x20: {  	[sflag:s8] =	ssyncset.s32 @!p0 $0xFFFFF086;
	s6 =	sadd.s32 @!p0 s3, s7;
	s7 =	simm.s32 @!p0 $0x108  }
0x21: {  	s3 =	sadd.s32 s3, s9;
	s6 =	sadd.s32 @!p0 $0x88, s6;
	s7 =	simm.s32 @p2 $0x1082  }
0x22: {  	[simem:s7], [sflag:s8] =	dma.local @!p0 [hbm:s6], $0xF7A  }
0x23: {  	s9 =	sor.u32 $0xD0000000, s2;
	s6 =	simm.s32 $0x108;
	_ =	swait.ge @!p0 [sflag:s8], $0x0  }
0x24: {  	s3 =	sadd.s32 $0x88, s3;
	s6 =	simm.s32 @!p1 $0x1082;
	[sflag:s4] =	ssyncset.s32 $0xFFFFF086  }
0x25: {  	[simem:s6], [sflag:s4] =	dma.local [hbm:s3], $0xF7A  }
0x26: {  	[smem:$0x3F9E] =	sst s1;
	(tag) =	ssettag s2;
	_ =	strace s9  }
0x27: {  	s1 =	sld [smem:$0x3FAE]  }
0x28: {  	s2 =	sld [smem:$0x3FAF]  }
0x29: {  	s4 =	sld [smem:$0x3FB1]  }
0x2a: {  	p0 =	seq.s32 s5, $0x0;
	s5 =	sld [smem:$0x3FB2]  }
0x2b: {  	s6 =	sld [smem:$0x3FB3]  }
0x2c: {  	s7 =	sld [smem:$0x3FB4]  }
0x2d: {  	s3 =	simm.s32 $0x108;
	s8 =	sld [smem:$0x3FB5]  }
0x2e: {  	s3 =	simm.s32 @!p0 $0x1082;
	s9 =	sld [smem:$0x3FB6]  }
0x2f: {  	lr =	sadd.s32 s0, s3;
	s0 =	sld [smem:$0x3FAD]  }
0x30: {  	s3 =	sld [smem:$0x3FB0]  }
0x31: {  	[smem:$0x3FB9] =	sst s10  }
0x32: {  	s10 =	sld [smem:$0x3FB7];
	_ =	sdelay $0x3  }
0x33: {  	p0 =	seq.s32 s10, $0x1;
	s10 =	sld [smem:$0x3FB9];
	_ =	sdelay $0x3  }
0x34: {  	[smem:$0x3FB9] =	sst s10  }
0x35: {  	s10 =	sld [smem:$0x3FB8];
	_ =	sdelay $0x3  }
0x36: {  	p1 =	seq.s32 s10, $0x1;
	s10 =	sld [smem:$0x3FB9];
	_ =	sdelay $0x3  }
0x37: {  	[smem:$0x3FB9] =	sst s10  }
0x38: {  	s10 =	sld [smem:$0x3FBA]  }
0x39: {  	_ = 	snop;
	(pc) =	sbr.ind lr, $3  }
0x3a: {  	_ = 	snop  }
0x3b: {  	_ = 	snop  }
0x3c: {  	p2 =	seq.s32 s10, $0x1;
	s10 =	sld [smem:$0x3FB9]  }
0x3d: {  	_ =	shalt  }
0x3e: {  	_ =	shalt  }
0x3f: {  	_ =	shalt  }
0x40: {  	_ =	shalt  }
0x41: {  	_ =	shalt  }
0x42: {  	_ =	shalt  }
0x43: {  	_ =	shalt  }
0x44: {  	_ =	shalt  }
0x45: {  	_ =	shalt  }
0x46: {  	_ =	shalt  }
0x47: {  	_ =	shalt  }
0x48: {  	_ =	shalt  }
0x49: {  	_ =	shalt  }
0x4a: {  	_ =	shalt  }
0x4b: {  	_ =	shalt  }
0x4c: {  	_ =	shalt  }
0x4d: {  	_ =	shalt  }
0x4e: {  	_ =	shalt  }
0x4f: {  	_ =	shalt  }
0x50: {  	_ =	shalt  }
0x51: {  	_ =	shalt  }
0x52: {  	_ =	shalt  }
0x53: {  	_ =	shalt  }
0x54: {  	_ =	shalt  }
0x55: {  	_ =	shalt  }
0x56: {  	_ =	shalt  }
0x57: {  	_ =	shalt  }
0x58: {  	_ =	shalt  }
0x59: {  	_ =	shalt  }
0x5a: {  	_ =	shalt  }
0x5b: {  	_ =	shalt  }
0x5c: {  	_ =	shalt  }
0x5d: {  	_ =	shalt  }
0x5e: {  	_ =	shalt  }
0x5f: {  	_ =	shalt  }
0x60: {  	_ =	shalt  }
0x61: {  	_ =	shalt  }
0x62: {  	_ =	shalt  }
0x63: {  	_ =	shalt  }
0x64: {  	_ =	shalt  }
0x65: {  	_ =	shalt  }
0x66: {  	_ =	shalt  }
0x67: {  	_ =	shalt  }
0x68: {  	_ =	shalt  }
0x69: {  	_ =	shalt  }
0x6a: {  	_ =	shalt  }
0x6b: {  	_ =	shalt  }
0x6c: {  	_ =	shalt  }
0x6d: {  	_ =	shalt  }
0x6e: {  	_ =	shalt  }
0x6f: {  	_ =	shalt  }
0x70: {  	_ =	shalt  }
0x71: {  	_ =	shalt  }
0x72: {  	_ =	shalt  }
0x73: {  	_ =	shalt  }
0x74: {  	_ =	shalt  }
0x75: {  	_ =	shalt  }
0x76: {  	_ =	shalt  }
0x77: {  	_ =	shalt  }
0x78: {  	_ =	shalt  }
0x79: {  	_ =	shalt  }
0x7a: {  	_ =	shalt  }
0x7b: {  	_ =	shalt  }
0x7c: {  	_ =	shalt  }
0x7d: {  	_ =	shalt  }
0x7e: {  	_ =	shalt  }
0x7f: {  	_ =	shalt  }
0x80: {  	_ =	shalt  }
0x81: {  	_ =	shalt  }
0x82: {  	_ =	shalt  }
0x83: {  	_ =	shalt  }
0x84: {  	_ =	shalt  }
0x85: {  	_ =	shalt  }
0x86: {  	_ =	shalt  }
0x87: {  	_ =	shalt  }
.Lfunc_end0:
.L_simem_size_0:
called_computation_lowered:
.L_overlay_start_0:
0x88: {  	s2 =	sld [smem:$0x3FD9]  }
0x89: {  	s3 =	sld [smem:$0x3FFE];
	_ =	sdelay $0x1  }
0x8a: {  	s1 =	srdreg.scid  }
0x8b: {  	s0 =	sand.u32 $0x1, s1  }
0x8c: {  	s16 =	sshll.u32 s0, $0xA;
	s2 =	sadd.s32 s3, s2  }
0x8d: {  	s2 =	sadd.s32 s2, s16  }
0x8e: {  	[smem:$0x3FC5] =	sst s2  }
0x8f: {  	_ = 	snop  }
0x90: {  	(tm) =	ssettm $0x1  }
0x91: {  	s17 =	sld [smem:$0x3FFB];
	_ =	sdelay $0x3  }
0x92: {  	_ =	strace s17  }
0x93: {  	s2 =	sld [smem:$0x3FFC];
	_ =	sdelay $0x3  }
0x94: {  	_ =	strace s2  }
0x95: {  	s2 =	sld [smem:$0x3FFD];
	_ =	sdelay $0x3  }
0x96: {  	_ =	strace s2  }
0x97: {  	_ =	strace $0x8FFFFFFF  }
0x98: {  	s18 =	sld [smem:$0x3FDB];
	_ =	sdelay $0x1  }
0x99: {  	s19 =	simm.s32 $_scs_section_size  }
0x9a: {  	s4 =	simm.s32 $_size__tile_overlayer_lowered;
	s5 =	simm.s32 $_tile_overlayer_lowered  }
0x9b: {  	s22 =	simm.s32 $0x1BFF;
	s21 =	sshll.u32 s5, $0x1;
	s2 =	sadd.s32 s19, s18  }
0x9c: {  	s6 =	simm.s32 $0x0;
	s20 =	sshll.u32 s4, $0x1;
	s4 =	sadd.s32 s21, s2  }
0x9d: {  	[timem:s6], [sflag:s22] =	dma.local [hbm:s4], s20  }
0x9e: {  	_ =	swait.ge [sflag:s22], s20  }
0x9f: {  	s3 =	ssub.s32 $0x0, s20;
	[sflag:s22] =	ssyncset.done $0x0  }
0xa0: {  	[sflag:s22] =	ssyncadd.s32 s3;
	_ =	sdelay $0x1  }
0xa1: {  	s23 =	simm.s32 $0x1B8B  }
0xa2: {  	_ =	swait.ge [sflag:s23], $0x1  }
0xa3: {  	[sflag:s23] =	ssyncset.done $0x0  }
0xa4: {  	s25 =	simm.s32 $0x1B8E;
	s24 =	sld [smem:$0x3FFE];
	[sflag:s23] =	ssyncadd.s32 $0xFFFFFFFF  }
0xa5: {  	s26 =	simm.s32 $execute0_lowered;
	[smem:$0x3FD2] =	sst s25  }
0xa6: {  	s4 =	sshll.u32 s26, $0x1;
	_ =	strace $0x80000046;
	[dreg:$0x1] =	wrdreg $0xFFFFFFFF  }
0xa7: {  	s28 =	simm.s32 $_size_execute0_lowered;
	s2 =	sadd.s32 s2, s4;
	[dreg:$0x0] =	wrdreg $0x0  }
0xa8: {  	s4 =	sshll.u32 s28, $0x1;
	[dreg:$0x2] =	wrdreg s2  }
0xa9: {  	[dreg:$0x3] =	wrdreg s4  }
0xaa: {  	[dreg:$0x4] =	wrdreg $0xC0  }
0xab: {  	_ =	task [dreg:s6], $0x5FFFF  }
0xac: {  	[dreg:$0x1] =	wrdreg $0xFFFFFFFF  }
0xad: {  	[dreg:$0x0] =	wrdreg $0x60  }
0xae: {  	[dreg:$0x2] =	wrdreg s24  }
0xaf: {  	[dreg:$0x3] =	wrdreg $0x90000  }
0xb0: {  	[dreg:$0x4] =	wrdreg $0x9  }
0xb1: {  	_ =	task.clear_ibuf [dreg:s6], $0x5FFFF;
	_ =	strace $0x90000046  }
0xb2: {  	s29 =	simm.s32 $0x9;
	_ =	strace $0x80000048  }
0xb3: {  	_ =	swait.ge [sflag:s29], $0x1  }
0xb4: {  	[sflag:s29] =	ssyncadd.s32 $0xFFFFFFFF  }
0xb5: {  	_ =	strace $0x90000048  }
0xb6: {  	_ =	sfence  }
0xb7: {  	s30 =	sld [smem:$0x0];
	_ =	sdelay $0x2  }
0xb8: {  	s31 =	sshll.u32 s1, $0xD;
	s1 =	sshrl.u32 s1, $0x2  }
0xb9: {  	s3 =	sand.u32 $0x4000, s31;
	s1 =	sadd.s32 s1, s30  }
0xba: {  	s0 =	sor.u32 s3, s0;
	s1 =	sshll.u32 s1, $0x11  }
0xbb: {  	s0 =	sor.u32 s1, s0  }
0xbc: {  	s0 =	sadd.s32 $0x8F2B, s0  }
0xbd: {  	[sflag:s0] =	ssyncadd.remote.s32 $0x1  }
0xbe: {  	_ =	sfence.sel $0xFFFF  }
0xbf: {  	[dreg:$0x0] =	wrdreg $0xFFFFFFFF;
	(pc) =	sbr.abs _section_cstart, $3  }
0xc0: {  	[dreg:$0x1] =	wrdreg $0xFFFFFFFF  }
0xc1: {  	_ =	task.clear_ibuf [dreg:s6], $0x2FFFF;
	_ =	strace $0x9FFFFFFF  }
0xc2: {  	(tm) =	ssettm $0x7FFFFFFF  }
0xc3: {  	_ =	shalt  }
tec
execute0_lowered:
.L_overlay_start_1:
0x0: {  	(tag) =	ssettag $0x1  }
0x1: {  	s1 =	srdreg.scid;
	s4 =	rddreg [dreg:$0x0]  }
0x2: {  	s0 =	stileid.u32;
	s2 =	rddreg [dreg:$0x1];
	s3 =	simm.s32 $0x0  }
0x3: {  	s19 =	simm.s32 $0x80;
	s20 =	simm.s32 $0x5000;
	s21 =	simm.s32 $0x0  }
0x4: {  	s8 =	sand.u32 $0x1, s1;
	s31 =	sshll.u32 s0, $0x1;
	s1 =	rddreg [dreg:$0x2]  }
0x5: {  	[smem:$0x7FF] =	sst s3;
	s6 =	smul.u32 $0x4F000, s0;
	s15 =	sadd.s32 $0x15400, s4  }
0x6: {  	s14 =	smul.u32 $0x13C00, s0;
	s12 =	sadd.s32 $0x130400, s2;
	p0 =	seq.s32 s0, $0xF  }
0x7: {  	s5 =	sor.u32 s8, s31;
	s10 =	ssub.s32 $0x2, s8;
	s13 =	smul.u32 $0x138800, s8  }
0x8: {  	_ =	strace $0x80000047;
	s5 =	smul.u32 $0x500, s5;
	s11 =	sshrl.u32 s10, $0x1  }
0x9: {  	s6 =	sshrl.u32 s6, $0x2;
	s17 =	ssub.s32 s10, s11;
	s10 =	sadd.s32 $0x128400, s2  }
0xa: {  	s11 =	sadd.s32 $0x12C400, s2;
	s14 =	sadd.s32 s14, s13;
	s16 =	sshrl.u32 s13, $0x3  }
0xb: {  	s13 =	sadd.s32 $0x134400, s2;
	s5 =	sadd.s32 s5, s4;
	s18 =	sshrl.u32 s14, $0x3  }
0xc: {  	s16 =	sadd.s32 s15, s16;
	s14 =	sadd.s32 $0x138400, s2;
	s17 =	smax.u32 s17, $0x1  }
0xd: {  	s4 =	sadd.s32 $0xB400, s5;
	s5 =	sadd.s32 s6, s2;
	s15 =	sadd.s32 s15, s18  }
0xe: {  	s16 =	sadd.s32 $0x25080, s16;
	s18 =	simm.s32 $0x1;
	s6 =	sadd.s32 $0x4000, s5  }
0xf: {  	v0 =	vimm.f32 $0.0e+00;
	v1 =	vimm.f32 $1.000000000e+00;
	s7 =	sadd.s32 $0x8000, s5;
	s8 =	sadd.s32 $0xC000, s5;
	s9 =	sadd.s32 $0x10000, s5  }
.LBB2_1:
0x10: {  	[tilespmem:s3], [sflag:$0x1] =	stream.linear.gather [hbm4b:s4+s3], $0x2800, $0x38;
	[tilespmem:$0x1C900] =	vst v63  }
0x11: {  	_ =	swait.ge [sflag:s18], $0x2800  }
0x12: {  	[sflag:s18] =	ssyncset.done $0x0  }
0x13: {  	s22 =	simm.s32 $0x0;
	[sflag:s18] =	ssyncadd.s32 $0xFFFFD800  }
0x14: {  	v5 =	vld [tilespmem:s22+$0x70]  }
0x15: {  	v6 =	vld [tilespmem:s22+$0x0]  }
0x16: {  	v7 =	vld [tilespmem:s22+$0x10]  }
0x17: {  	v4 =	vld [tilespmem:s22+$0x20]  }
0x18: {  	v2 =	vld [tilespmem:s22+$0x30]  }
0x19: {  	v3 =	vld [tilespmem:s22+$0x40];
	[tilespmem:s22+$0x2870] =	vst v5  }
0x1a: {  	[tilespmem:s22+$0x2800] =	vst v6;
	v5 =	vld [tilespmem:s22+$0x50]  }
0x1b: {  	s23 =	simm.s32 $0x80;
	s24 =	simm.s32 $0x400;
	[tilespmem:s22+$0x2810] =	vst v7;
	v6 =	vld [tilespmem:s22+$0x60]  }
.LBB2_2:
0x1c: {  	p1 =	sne.s32 s24, $0x9E00;
	v7 =	vld [tilespmem:s23+$0x70];
	[tilespmem:s22+$0x2820] =	vst v4  }
0x1d: {  	v8 =	vld [tilespmem:s23+$0x0];
	[tilespmem:s22+$0x2830] =	vst v2  }
0x1e: {  	v9 =	vld [tilespmem:s23+$0x10];
	[tilespmem:s22+$0x2840] =	vst v3  }
.Ltmp0:
0x1f: {  	v4 =	vld [tilespmem:s23+$0x20];
	[tilespmem:s22+$0x2850] =	vst v5;
	(pc) =	sbr.rel @p1 .LBB2_2-.Ltmp0, $4  }
0x20: {  	v2 =	vld [tilespmem:s23+$0x30];
	[tilespmem:s22+$0x2860] =	vst v6;
	s22 =	smov.u32 s23  }
0x21: {  	v3 =	vld [tilespmem:s22+$0x40];
	[tilespmem:s22+$0x2870] =	vst v7  }
0x22: {  	[tilespmem:s22+$0x2800] =	vst v8;
	v5 =	vld [tilespmem:s22+$0x50]  }
0x23: {  	s23 =	sshra.s32 s24, $0x2;
	s24 =	sadd.s32 $0x200, s24;
	[tilespmem:s22+$0x2810] =	vst v9;
	v6 =	vld [tilespmem:s22+$0x60]  }
0x24: {  	v7 =	vld [tilespmem:s23+$0x70];
	[tilespmem:s22+$0x2820] =	vst v4  }
0x25: {  	v4 =	vld [tilespmem:s23+$0x0];
	[tilespmem:s22+$0x2830] =	vst v2  }
0x26: {  	v2 =	vld [tilespmem:s23+$0x10];
	[tilespmem:s22+$0x2840] =	vst v3  }
0x27: {  	v3 =	vld [tilespmem:s23+$0x20];
	[tilespmem:s22+$0x2850] =	vst v5  }
0x28: {  	v5 =	vld [tilespmem:s23+$0x30];
	[tilespmem:s22+$0x2860] =	vst v6  }
0x29: {  	v6 =	vld [tilespmem:s23+$0x40];
	[tilespmem:s23+$0x2870] =	vst v7  }
0x2a: {  	v63 =	vld [tilespmem:s23+$0x50];
	[tilespmem:s23+$0x2800] =	vst v4  }
0x2b: {  	[tilespmem:s23+$0x2810] =	vst v2;
	v2 =	vld [tilespmem:s23+$0x60]  }
0x2c: {  	[tilespmem:s23+$0x2820] =	vst v3  }
0x2d: {  	[tilespmem:s23+$0x2830] =	vst v5  }
0x2e: {  	[tilespmem:s23+$0x2840] =	vst v6  }
0x2f: {  	[tilespmem:s23+$0x2850] =	vst v63  }
0x30: {  	s22 =	simm.s32 $0x0;
	[tilespmem:s23+$0x2860] =	vst v2;
	s23 =	simm.s32 $0x200  }
.LBB2_4:
0x31: {  	p1 =	sne.s32 s23, $0xFE00;
	[tilespmem:s22+$0x5070] =	vst v0  }
0x32: {  	[tilespmem:s22+$0x5000] =	vst v0  }
0x33: {  	[tilespmem:s22+$0x5010] =	vst v0  }
.Ltmp1:
0x34: {  	[tilespmem:s22+$0x5020] =	vst v0;
	(pc) =	sbr.rel @p1 .LBB2_4-.Ltmp1, $4  }
0x35: {  	[tilespmem:s22+$0x5030] =	vst v0  }
0x36: {  	[tilespmem:s22+$0x5040] =	vst v0  }
0x37: {  	[tilespmem:s22+$0x5050] =	vst v0  }
0x38: {  	[tilespmem:s22+$0x5060] =	vst v0;
	s22 =	sshra.s32 s23, $0x2;
	s23 =	sadd.s32 $0x200, s23  }
0x39: {  	[tilespmem:s22+$0x5070] =	vst v0  }
0x3a: {  	[tilespmem:s22+$0x5000] =	vst v0  }
0x3b: {  	[tilespmem:s22+$0x5010] =	vst v0  }
0x3c: {  	[tilespmem:s22+$0x5020] =	vst v0  }
0x3d: {  	[tilespmem:s22+$0x5030] =	vst v0  }
0x3e: {  	[tilespmem:s22+$0x5040] =	vst v0  }
0x3f: {  	[tilespmem:s22+$0x5050] =	vst v0  }
0x40: {  	[tilespmem:s22+$0x5060] =	vst v0;
	s22 =	simm.s32 @p0 $0x5000;
	s23 =	simm.s32 @p0 $0x1  }
0x41: {  	[spmem:s10] =	stream.linear.scatter @p0 [tilespmem:s22], [sflag:$0x1], $0x4000, $0x38;
	[tilespmem:$0x1C900] =	vst v63  }
0x42: {  	_ =	swait.ge @p0 [sflag:s23], $0x4000  }
0x43: {  	[sflag:s23] =	ssyncset.done @p0 $0x0  }
0x44: {  	[sflag:s23] =	ssyncadd.s32 @p0 $0xFFFFC000  }
0x45: {  	[spmem:s11] =	stream.linear.scatter @p0 [tilespmem:s22], [sflag:$0x1], $0x4000, $0x38;
	[tilespmem:$0x1C900] =	vst v63  }
0x46: {  	_ =	swait.ge @p0 [sflag:s23], $0x4000  }
0x47: {  	[sflag:s23] =	ssyncset.done @p0 $0x0  }
0x48: {  	[sflag:s23] =	ssyncadd.s32 @p0 $0xFFFFC000  }
0x49: {  	[spmem:s12] =	stream.linear.scatter @p0 [tilespmem:s22], [sflag:$0x1], $0x4000, $0x38;
	[tilespmem:$0x1C900] =	vst v63  }
0x4a: {  	_ =	swait.ge @p0 [sflag:s23], $0x4000  }
0x4b: {  	[sflag:s23] =	ssyncset.done @p0 $0x0  }
0x4c: {  	[sflag:s23] =	ssyncadd.s32 @p0 $0xFFFFC000  }
0x4d: {  	[spmem:s13] =	stream.linear.scatter @p0 [tilespmem:s22], [sflag:$0x1], $0x4000, $0x38;
	[tilespmem:$0x1C900] =	vst v63  }
0x4e: {  	_ =	swait.ge @p0 [sflag:s23], $0x4000  }
0x4f: {  	[sflag:s23] =	ssyncset.done @p0 $0x0  }
0x50: {  	[sflag:s23] =	ssyncadd.s32 @p0 $0xFFFFC000  }
0x51: {  	[spmem:s14] =	stream.linear.scatter @p0 [tilespmem:s22], [sflag:$0x1], $0xC00, $0x38;
	[tilespmem:$0x1C900] =	vst v63  }
0x52: {  	_ =	swait.ge @p0 [sflag:s23], $0xC00  }
0x53: {  	[sflag:s23] =	ssyncset.done @p0 $0x0  }
0x54: {  	s22 =	simm.s32 @!p0 $0x5000;
	[sflag:s23] =	ssyncadd.s32 @p0 $0xFFFFF400;
	s23 =	simm.s32 @!p0 $0x1  }
0x55: {  	[spmem:s5] =	stream.linear.scatter @!p0 [tilespmem:s22], [sflag:$0x1], $0x4000, $0x38;
	[tilespmem:$0x1C900] =	vst v63  }
0x56: {  	_ =	swait.ge @!p0 [sflag:s23], $0x4000  }
0x57: {  	[sflag:s23] =	ssyncset.done @!p0 $0x0  }
0x58: {  	[sflag:s23] =	ssyncadd.s32 @!p0 $0xFFFFC000  }
0x59: {  	[spmem:s6] =	stream.linear.scatter @!p0 [tilespmem:s22], [sflag:$0x1], $0x4000, $0x38;
	[tilespmem:$0x1C900] =	vst v63  }
0x5a: {  	_ =	swait.ge @!p0 [sflag:s23], $0x4000  }
0x5b: {  	[sflag:s23] =	ssyncset.done @!p0 $0x0  }
0x5c: {  	[sflag:s23] =	ssyncadd.s32 @!p0 $0xFFFFC000  }
0x5d: {  	[spmem:s7] =	stream.linear.scatter @!p0 [tilespmem:s22], [sflag:$0x1], $0x4000, $0x38;
	[tilespmem:$0x1C900] =	vst v63  }
0x5e: {  	_ =	swait.ge @!p0 [sflag:s23], $0x4000  }
0x5f: {  	[sflag:s23] =	ssyncset.done @!p0 $0x0  }
0x60: {  	[sflag:s23] =	ssyncadd.s32 @!p0 $0xFFFFC000  }
0x61: {  	[spmem:s8] =	stream.linear.scatter @!p0 [tilespmem:s22], [sflag:$0x1], $0x4000, $0x38;
	[tilespmem:$0x1C900] =	vst v63  }
0x62: {  	_ =	swait.ge @!p0 [sflag:s23], $0x4000  }
0x63: {  	[sflag:s23] =	ssyncset.done @!p0 $0x0  }
0x64: {  	[sflag:s23] =	ssyncadd.s32 @!p0 $0xFFFFC000  }
0x65: {  	[spmem:s9] =	stream.linear.scatter @!p0 [tilespmem:s22], [sflag:$0x1], $0x3C00, $0x38;
	[tilespmem:$0x1C900] =	vst v63  }
0x66: {  	_ =	swait.ge @!p0 [sflag:s23], $0x3C00  }
0x67: {  	[sflag:s23] =	ssyncset.done @!p0 $0x0  }
0x68: {  	s22 =	simm.s32 $0x0;
	[sflag:s23] =	ssyncadd.s32 @!p0 $0xFFFFC400;
	s23 =	simm.s32 $0x200  }
.LBB2_6:
0x69: {  	p1 =	sne.s32 s23, $0xFE00;
	[tilespmem:s22+$0x5070] =	vst v1  }
0x6a: {  	[tilespmem:s22+$0x5000] =	vst v1  }
0x6b: {  	[tilespmem:s22+$0x5010] =	vst v1  }
.Ltmp2:
0x6c: {  	[tilespmem:s22+$0x5020] =	vst v1;
	(pc) =	sbr.rel @p1 .LBB2_6-.Ltmp2, $4  }
0x6d: {  	[tilespmem:s22+$0x5030] =	vst v1  }
0x6e: {  	[tilespmem:s22+$0x5040] =	vst v1  }
0x6f: {  	[tilespmem:s22+$0x5050] =	vst v1  }
0x70: {  	[tilespmem:s22+$0x5060] =	vst v1;
	s22 =	sshra.s32 s23, $0x2;
	s23 =	sadd.s32 $0x200, s23  }
0x71: {  	[tilespmem:s22+$0x5070] =	vst v1  }
0x72: {  	[tilespmem:s22+$0x5000] =	vst v1  }
0x73: {  	[tilespmem:s22+$0x5010] =	vst v1  }
0x74: {  	[tilespmem:s22+$0x5020] =	vst v1  }
0x75: {  	[tilespmem:s22+$0x5030] =	vst v1  }
0x76: {  	[tilespmem:s22+$0x5040] =	vst v1  }
0x77: {  	[tilespmem:s22+$0x5050] =	vst v1  }
0x78: {  	[tilespmem:s22+$0x5060] =	vst v1  }
0x79: {  	s31 =	simm.s32 $0x2800;
	[bflag:$0x0] =	sbarrier.arrive $0xFFFF  }
0x7a: {  	[spmem:s2] =	stream.indirect.scatter.add.f32 [tilespmem:s20], [sflag:$0x1], $0x80, s31, s19, $0xb8;
	[tilespmem:$0x1C900] =	vst v63  }
0x7b: {  	s22 =	simm.s32 $0x200;
	_ =	swait.ge [sflag:s18], $0x4000  }
.LBB2_8:
0x7c: {  	s23 =	sshra.s32 s22, $0x2;
	[sflag:s18] =	ssyncset.done $0x0;
	p1 =	sne.s32 s22, $0x9E00  }
.Ltmp3:
0x7d: {  	s23 =	sadd.s32 $0x2800, s23;
	[sflag:s18] =	ssyncadd.s32 $0xFFFFC000;
	(pc) =	sbr.rel @p1 .LBB2_8-.Ltmp3, $3  }
0x7e: {  	[spmem:s2] =	stream.indirect.scatter.add.f32 [tilespmem:s20], [sflag:$0x1], $0x80, s23, s19, $0xb8;
	[tilespmem:$0x1C900] =	vst v63  }
0x7f: {  	s22 =	sadd.s32 $0x200, s22;
	_ =	sdelay $0x1  }
0x80: {  	_ =	swait.ge [sflag:s18], $0x4000  }
0x81: {  	[sflag:s18] =	ssyncset.done $0x0  }
0x82: {  	[sflag:s18] =	ssyncadd.s32 $0xFFFFC000  }
0x83: {  	s22 =	sshrl.u32 @p0 s10, $0x3;
	s23 =	simm.s32 @p0 $0x1FC1;
	[bflag:$0x0] =	sbarrier.arrive $0xFFFF  }
0x84: {  	[hbm:s16], [sflag:s23] =	dma.local @p0 [spmem:s22], $0x2080  }
0x85: {  	s22 =	simm.s32 @p0 $0x1  }
0x86: {  	s21 =	sadd.s32 $0x1, s21;
	_ =	swait.ge @p0 [sflag:s22], $0x2080  }
0x87: {  	p1 =	sne.s32 s21, s17;
	s23 =	sshll.u32 @!p0 s0, $0x6;
	[sflag:s22] =	ssyncset.done @p0 $0x0  }
0x88: {  	[sflag:s22] =	ssyncadd.s32 @p0 $0xFFFFDF80;
	s22 =	sor.u32 @!p0 $0x1C01, s23;
	s23 =	sshrl.u32 @!p0 s5, $0x3  }
0x89: {  	[hbm:s15], [sflag:s22] =	dma.local @!p0 [spmem:s23], $0x2780  }
.Ltmp4:
0x8a: {  	_ = 	snop;
	(pc) =	sbr.rel @p1 .LBB2_1-.Ltmp4, $4  }
0x8b: {  	s22 =	simm.s32 @!p0 $0x1  }
0x8c: {  	_ =	swait.ge @!p0 [sflag:s22], $0x2780  }
0x8d: {  	[sflag:s22] =	ssyncset.done @!p0 $0x0  }
0x8e: {  	[sflag:s22] =	ssyncadd.s32 @!p0 $0xFFFFD880  }
0x8f: {  	_ =	sfence.sel $0x180000  }
0x90: {  	[bflag:$0x0] =	sbarrier.arrive $0xFFFF  }
0x91: {  	p0 =	sne.s32 s0, $0x0;
	_ =	strace $0x90000047  }
0x92: {  	s0 =	sadd.s32 @!p0 $0x100000, s1;
	[bflag:$0x2] =	sbarrier.arrive $0xFFFF  }
0x93: {  	[sflag:s0] =	ssyncadd.tile.s32 @!p0 $0x1;
	_ =	shalt  }
.Lfunc_end2:
_tile_overlayer_lowered:
.L_overlay_start_2:
0x94: {  	(tag) =	ssettag $0x2  }
0x95: {  	s0 =	rddreg [dreg:$0x0];
	s2 =	stileid.u32  }
0x96: {  	s1 =	rddreg [dreg:$0x1];
	p0 =	sne.s32 s2, $0x0  }
0x97: {  	s3 =	rddreg [dreg:$0x2];
	[bflag:$0x3] =	sbarrier.arrive $0xFFFF;
	s2 =	simm.s32 @!p0 $0x1C01  }
0x98: {  	[timem:s3], [sflag:s2] =	dma.local @!p0 [hbm:s0], s1  }
0x99: {  	s0 =	simm.s32 @!p0 $0x1  }
0x9a: {  	_ =	swait.ge @!p0 [sflag:s0], s1  }
0x9b: {  	s1 =	ssub.s32 @!p0 $0x0, s1;
	[sflag:s0] =	ssyncset.done @!p0 $0x0  }
0x9c: {  	[sflag:s0] =	ssyncadd.s32 @!p0 s1  }
0x9d: {  	[bflag:$0x3] =	sbarrier.arrive $0xFFFF  }
0x9e: {  	_ =	shalt  }

</sc_bundles>
